<compile_context>
chip_gen: v7x
topology: tpu7x:2x2x1
jax: 0.10.2.dev20260603
libtpu: 0.0.44.dev20260713+nightly
codegen_flags: <defaults>
</compile_context>

<pallas_src>
import functools

import jax
import jax.numpy as jnp
from jax import lax
from jax.experimental import pallas as pl
from jax.experimental.pallas import tpu as pltpu
from jax.experimental.pallas import tpu_sc as plsc

N = 10000
E = 320000
NC = 2
NS = 16
EPAD = 323584
NPAD = 10016
RPT = NPAD // NS


@functools.lru_cache(maxsize=None)
def _make_sc_agg(F, K, with_count):
    CH = EPAD // (NS * K)
    """SC kernel: out[c, i, :] = sum over edges e with dst[e]==i of
    vals[src[e] + c*N, :].  vals is (2N, F): the two feature halves stacked.
    If with_count, also emits (NPAD, 16) where column 0 is the in-degree."""
    mesh = plsc.VectorSubcoreMesh(core_axis_name="c", subcore_axis_name="s",
                                  num_cores=NC, num_subcores=NS)
    outs = [jax.ShapeDtypeStruct((NC, NPAD, F), jnp.float32)]
    scratch = [
        pltpu.VMEM((CH, K), jnp.int32),
        pltpu.VMEM((CH, K), jnp.int32),
        pltpu.VMEM((K, F), jnp.float32),
        pltpu.VMEM((K, F), jnp.float32),
        pltpu.VMEM((RPT // 2, F), jnp.float32),
        pltpu.VMEM_SHARED((NPAD, F), jnp.float32),
        pltpu.SemaphoreType.DMA,
        pltpu.SemaphoreType.DMA,
        pltpu.SemaphoreType.DMA,
        pltpu.SemaphoreType.DMA,
    ]
    if with_count:
        outs.append(jax.ShapeDtypeStruct((NPAD, 16), jnp.float32))
        scratch += [
            pltpu.VMEM((K, 16), jnp.float32),
            pltpu.VMEM((RPT, 16), jnp.float32),
            pltpu.VMEM_SHARED((NPAD, 16), jnp.float32),
        ]

    def body(vals, gidx, didx, *rest):
        if with_count:
            (out, cnt_out, srcv, dstv, bufa, bufb, zbuf, acc, sema, semb,
             ssema, ssemb, ones, zcnt, cacc) = rest
        else:
            (out, srcv, dstv, bufa, bufb, zbuf, acc, sema, semb,
             ssema, ssemb) = rest
        c = lax.axis_index("c")
        s = lax.axis_index("s")
        pltpu.sync_copy(gidx.at[c, s], srcv)
        vrows = vals
        pltpu.sync_copy(didx.at[s], dstv)

        z16 = jnp.zeros((16,), jnp.float32)
        nq = F // 16

        def zrow(r, carry):
            for q in range(nq):
                zbuf[r, pl.ds(q * 16, 16)] = z16
            return carry
        lax.fori_loop(0, RPT // 2, zrow, 0)
        base = s * RPT
        pltpu.sync_copy(zbuf, acc.at[pl.ds(base, RPT // 2)])
        pltpu.sync_copy(zbuf, acc.at[pl.ds(base + RPT // 2, RPT // 2)])

        if with_count:
            one16 = jnp.ones((16,), jnp.float32)

            def onerow(r, carry):
                ones[r, pl.ds(0, 16)] = one16
                return carry
            lax.fori_loop(0, K, onerow, 0)

            def zcrow(r, carry):
                zcnt[r, pl.ds(0, 16)] = z16
                return carry
            lax.fori_loop(0, RPT, zcrow, 0)

            @pl.when(c == 0)
            def _():
                pltpu.sync_copy(zcnt, cacc.at[pl.ds(base, RPT)])

        plsc.subcore_barrier()

        def scat(j, buf, ssem):
            d = pltpu.async_copy(buf, acc.at[dstv.at[j]], ssem, add=True)
            if with_count:
                @pl.when(c == 0)
                def _():
                    pltpu.sync_copy(ones, cacc.at[dstv.at[j]], add=True)
            return d

        def pair(jp, carry):
            jj = jp * 2

            @pl.when(jp > 0)
            def _():
                pltpu.make_async_copy(bufa, acc.at[dstv.at[jj - 2]],
                                      ssema).wait()
                pltpu.make_async_copy(bufb, acc.at[dstv.at[jj - 1]],
                                      ssemb).wait()
            da = pltpu.async_copy(vrows.at[srcv.at[jj]], bufa, sema)
            db = pltpu.async_copy(vrows.at[srcv.at[jj + 1]], bufb, semb)
            da.wait()
            scat(jj, bufa, ssema)
            db.wait()
            scat(jj + 1, bufb, ssemb)
            return carry
        lax.fori_loop(0, CH // 2, pair, 0)
        pltpu.make_async_copy(bufa, acc.at[dstv.at[CH - 2]], ssema).wait()
        pltpu.make_async_copy(bufb, acc.at[dstv.at[CH - 1]], ssemb).wait()

        plsc.subcore_barrier()
        pltpu.sync_copy(acc.at[pl.ds(base, RPT)], out.at[c, pl.ds(base, RPT)])
        if with_count:
            @pl.when(c == 0)
            def _():
                pltpu.sync_copy(cacc.at[pl.ds(base, RPT)],
                                cnt_out.at[pl.ds(base, RPT)])

    return pl.kernel(body, out_type=tuple(outs), mesh=mesh,
                     scratch_types=scratch,
                     compiler_params=pltpu.CompilerParams(
                         use_tc_tiling_on_sc=False))


def _edge_layout(srcp, dstp, K):
    CH = EPAD // (NS * K)
    didx = dstp.reshape(NS, CH, K)
    s3 = srcp.reshape(NS, CH, K)
    gidx = jnp.stack([s3, s3 + N])
    return gidx, didx


def _sc_agg_l1(vals, srcp, dstp):
    gidx, didx = _edge_layout(srcp, dstp, 64)
    return _make_sc_agg(64, 64, True)(vals, gidx, didx)


def _sc_agg_l2(vals, srcp, dstp):
    gidx, didx = _edge_layout(srcp, dstp, 128)
    out = _make_sc_agg(32, 128, False)(vals, gidx, didx)
    return out[0] if isinstance(out, (tuple, list)) else out


def _tc_layer1(agg1, cnt, x, W1l, b1, W1r, W2l):
    R = 1000

    def body(agg_ref, cnt_ref, x_ref, wl_ref, b_ref, wr_ref, w2_ref,
             h_ref, hw_ref):
        invc = 1.0 / jnp.maximum(cnt_ref[...], 1.0)
        mean = agg_ref[...] * invc
        h = jnp.dot(mean, wl_ref[...], preferred_element_type=jnp.float32)
        h += jnp.dot(x_ref[...], wr_ref[...],
                     preferred_element_type=jnp.float32)
        h = jnp.maximum(h + b_ref[...], 0.0)
        h_ref[...] = h
        hw_ref[...] = jnp.dot(h, w2_ref[...],
                              preferred_element_type=jnp.float32)

    return pl.pallas_call(
        body,
        grid=(N // R,),
        in_specs=[pl.BlockSpec((R, 128), lambda i: (i, 0)),
                  pl.BlockSpec((R, 1), lambda i: (i, 0)),
                  pl.BlockSpec((R, 128), lambda i: (i, 0)),
                  pl.BlockSpec((128, 128), lambda i: (0, 0)),
                  pl.BlockSpec((1, 128), lambda i: (0, 0)),
                  pl.BlockSpec((128, 128), lambda i: (0, 0)),
                  pl.BlockSpec((128, 64), lambda i: (0, 0))],
        out_specs=[pl.BlockSpec((R, 128), lambda i: (i, 0)),
                   pl.BlockSpec((R, 64), lambda i: (i, 0))],
        out_shape=[jax.ShapeDtypeStruct((N, 128), jnp.float32),
                   jax.ShapeDtypeStruct((N, 64), jnp.float32)],
    )(agg1, cnt, x, W1l, b1, W1r, W2l)


def _tc_layer2(agg2, cnt, h, W2r, b2):
    R = 1000

    def body(agg_ref, cnt_ref, h_ref, wr_ref, b_ref, out_ref):
        invc = 1.0 / jnp.maximum(cnt_ref[...], 1.0)
        o = agg_ref[...] * invc
        o += jnp.dot(h_ref[...], wr_ref[...],
                     preferred_element_type=jnp.float32)
        o += b_ref[...]
        m = jnp.max(o, axis=1, keepdims=True)
        e = o - m
        out_ref[...] = e - jnp.log(jnp.sum(jnp.exp(e), axis=1,
                                           keepdims=True))

    return pl.pallas_call(
        body,
        grid=(N // R,),
        in_specs=[pl.BlockSpec((R, 64), lambda i: (i, 0)),
                  pl.BlockSpec((R, 1), lambda i: (i, 0)),
                  pl.BlockSpec((R, 128), lambda i: (i, 0)),
                  pl.BlockSpec((128, 64), lambda i: (0, 0)),
                  pl.BlockSpec((1, 64), lambda i: (0, 0))],
        out_specs=pl.BlockSpec((R, 64), lambda i: (i, 0)),
        out_shape=jax.ShapeDtypeStruct((N, 64), jnp.float32),
    )(agg2, cnt, h, W2r, b2)


def kernel(x, edge_index, W1l, b1, W1r, W2l, b2, W2r):
    src = edge_index[0].astype(jnp.int32)
    dst = edge_index[1].astype(jnp.int32)
    pad = EPAD - E
    srcp = jnp.concatenate([src, jnp.zeros((pad,), jnp.int32)])
    dstp = jnp.concatenate([dst, jnp.full((pad,), N, jnp.int32)])

    x2 = jnp.concatenate([x[:, :64], x[:, 64:]], axis=0)
    agg_raw, cnt_raw = _sc_agg_l1(x2, srcp, dstp)
    agg1 = agg_raw.transpose(1, 0, 2).reshape(NPAD, 128)[:N]
    cnt = cnt_raw[:N, :1]

    h, hw = _tc_layer1(agg1, cnt, x, W1l, b1.reshape(1, 128), W1r, W2l)

    hw2 = jnp.concatenate([hw[:, :32], hw[:, 32:]], axis=0)
    agg2_raw = _sc_agg_l2(hw2, srcp, dstp)
    agg2 = agg2_raw.transpose(1, 0, 2).reshape(NPAD, 64)[:N]

    return _tc_layer2(agg2, cnt, h, W2r, b2.reshape(1, 64))

# --- scband reference (transcript-rebuilt; emitter-appended) ---
"""Pipeline reference for scband-graph-sage-mean-10368051052691 (READ-ONLY COPY).

The authoritative reference and input builder live on the scoring server;
editing this copy changes nothing except your own understanding.
"""

import jax, jax.numpy as jnp
import numpy as np

N_NODES = 10000
N_EDGES = 320000
D_IN = 128
D_HID = 128
D_OUT = 64


def setup_inputs(seed: int = 0) -> dict:
    key = jax.random.key(seed)
    ks = jax.random.split(key, 10)
    x = jax.random.normal(ks[0], (N_NODES, D_IN), dtype=jnp.float32)
    edge_index = jax.random.randint(ks[1], (2, N_EDGES), 0, N_NODES, dtype=jnp.int64)
    # SAGEConv layer 1: lin_l (applied to aggregated neighbors, with bias), lin_r (applied to self)
    s1 = 1.0 / np.sqrt(D_IN)
    W1l = jax.random.uniform(ks[2], (D_IN, D_HID), dtype=jnp.float32, minval=-s1, maxval=s1)
    b1 = jax.random.uniform(ks[3], (D_HID,), dtype=jnp.float32, minval=-s1, maxval=s1)
    W1r = jax.random.uniform(ks[4], (D_IN, D_HID), dtype=jnp.float32, minval=-s1, maxval=s1)
    # SAGEConv layer 2
    s2 = 1.0 / np.sqrt(D_HID)
    W2l = jax.random.uniform(ks[5], (D_HID, D_OUT), dtype=jnp.float32, minval=-s2, maxval=s2)
    b2 = jax.random.uniform(ks[6], (D_OUT,), dtype=jnp.float32, minval=-s2, maxval=s2)
    W2r = jax.random.uniform(ks[7], (D_HID, D_OUT), dtype=jnp.float32, minval=-s2, maxval=s2)
    return {"x": x, "edge_index": edge_index, "W1l": W1l, "b1": b1, "W1r": W1r,
            "W2l": W2l, "b2": b2, "W2r": W2r}


def _sage_mean(x, edge_index, Wl, b, Wr):
    src = edge_index[0]
    dst = edge_index[1]
    msgs = jnp.take(x, src, axis=0)                              # gather [E, d]
    agg = jax.ops.segment_sum(msgs, dst, num_segments=x.shape[0])  # scatter-add
    cnt = jax.ops.segment_sum(jnp.ones((edge_index.shape[1],), dtype=x.dtype), dst,
                              num_segments=x.shape[0])
    mean = agg / jnp.clip(cnt, 1.0, None)[:, None]
    return mean @ Wl + b + x @ Wr


def reference(x, edge_index, W1l, b1, W1r, W2l, b2, W2r):
    # eval mode: dropout is identity
    h = _sage_mean(x, edge_index, W1l, b1, W1r)
    h = jax.nn.relu(h)
    out = _sage_mean(h, edge_index, W2l, b2, W2r)
    return jax.nn.log_softmax(out, axis=1)

if __name__ == "__main__":
    import jax
    _d = setup_inputs()
    print(jax.jit(kernel)(*tuple(_d.values())))

</pallas_src>

<mosaic_0001>
#map = affine_map<(d0, d1) -> (0, 0)>
#map1 = affine_map<(d0, d1) -> (0, 0, 0, 0)>
#map2 = affine_map<(d0, d1) -> (0, 0, 0)>
module attributes {stable_mosaic.version = 14 : i64} {
  func.func @body(%arg0: i32, %arg1: i32, %arg2: memref<20000x64xf32, #tpu.memory_space<hbm>>, %arg3: memref<2x16x316x64xi32, #tpu.memory_space<hbm>>, %arg4: memref<16x316x64xi32, #tpu.memory_space<hbm>>, %arg5: memref<2x10016x64xf32, #tpu.memory_space<hbm>>, %arg6: memref<10016x16xf32, #tpu.memory_space<hbm>>, %arg7: memref<316x64xi32, #tpu.memory_space<vmem>>, %arg8: memref<316x64xi32, #tpu.memory_space<vmem>>, %arg9: memref<64x64xf32, #tpu.memory_space<vmem>>, %arg10: memref<64x64xf32, #tpu.memory_space<vmem>>, %arg11: memref<313x64xf32, #tpu.memory_space<vmem>>, %arg12: memref<10016x64xf32, #tpu.memory_space<vmem_shared>>, %arg13: memref<!tpu.dma_semaphore, #tpu.memory_space<semaphore_mem>>, %arg14: memref<!tpu.dma_semaphore, #tpu.memory_space<semaphore_mem>>, %arg15: memref<!tpu.dma_semaphore, #tpu.memory_space<semaphore_mem>>, %arg16: memref<!tpu.dma_semaphore, #tpu.memory_space<semaphore_mem>>, %arg17: memref<64x16xf32, #tpu.memory_space<vmem>>, %arg18: memref<626x16xf32, #tpu.memory_space<vmem>>, %arg19: memref<10016x16xf32, #tpu.memory_space<vmem_shared>>) attributes {dimension_semantics = [#tpu.dimension_semantics<core_parallel>, #tpu.dimension_semantics<subcore_parallel>], iteration_bounds = array<i64: 2, 16>, scalar_prefetch = 0 : i64, scratch_operands = 13 : i64, tpu.core_type = #tpu.core_type<sc_vector_subcore>, window_params = [{transform_indices = #map}, {transform_indices = #map1}, {transform_indices = #map2}, {transform_indices = #map2}, {transform_indices = #map}]} {
    "tpu.region"() ({
      %run_scoped3A = tpu.sem_alloc : memref<!tpu.dma_semaphore, #tpu.memory_space<semaphore_mem>>
      %dma_start3A = arith.constant 0 : i32
      %dma_start3A_49 = arith.constant 0 : i32
      %dma_start3A_50 = tpu.memref_slice %arg3[%arg0, %arg1, %dma_start3A, %dma_start3A_49] : memref<2x16x316x64xi32, #tpu.memory_space<hbm>> -> memref<1x1x316x64xi32, #tpu.memory_space<hbm>>
      %dma_start3A_51 = tpu.memref_squeeze %dma_start3A_50 : memref<1x1x316x64xi32, #tpu.memory_space<hbm>> -> memref<316x64xi32, #tpu.memory_space<hbm>>
      %dma_start3A_52 = arith.constant 0 : i32
      %dma_start3A_53 = arith.constant 0 : i32
      %dma_start3A_54 = tpu.memref_slice %arg3[%arg0, %arg1, %dma_start3A_52, %dma_start3A_53] : memref<2x16x316x64xi32, #tpu.memory_space<hbm>> -> memref<1x1x316x64xi32, #tpu.memory_space<hbm>>
      %dma_start3A_55 = tpu.memref_squeeze %dma_start3A_54 : memref<1x1x316x64xi32, #tpu.memory_space<hbm>> -> memref<316x64xi32, #tpu.memory_space<hbm>>
      tpu.enqueue_dma source(%dma_start3A_55 : memref<316x64xi32, #tpu.memory_space<hbm>>) target(%arg7 : memref<316x64xi32, #tpu.memory_space<vmem>>) target_semaphore(%run_scoped3A : memref<!tpu.dma_semaphore, #tpu.memory_space<semaphore_mem>>)
      %dma_wait3A_56 = arith.constant 0 : i32
      %dma_wait3A_57 = arith.constant 0 : i32
      %dma_wait3A_58 = tpu.memref_slice %arg3[%arg0, %arg1, %dma_wait3A_56, %dma_wait3A_57] : memref<2x16x316x64xi32, #tpu.memory_space<hbm>> -> memref<1x1x316x64xi32, #tpu.memory_space<hbm>>
      %dma_wait3A_59 = tpu.memref_squeeze %dma_wait3A_58 : memref<1x1x316x64xi32, #tpu.memory_space<hbm>> -> memref<316x64xi32, #tpu.memory_space<hbm>>
      %dma_wait3A_60 = arith.constant 0 : i32
      %dma_wait3A_61 = arith.constant 0 : i32
      %dma_wait3A_62 = tpu.memref_slice %arg3[%arg0, %arg1, %dma_wait3A_60, %dma_wait3A_61] : memref<2x16x316x64xi32, #tpu.memory_space<hbm>> -> memref<1x1x316x64xi32, #tpu.memory_space<hbm>>
      %dma_wait3A_63 = tpu.memref_squeeze %dma_wait3A_62 : memref<1x1x316x64xi32, #tpu.memory_space<hbm>> -> memref<316x64xi32, #tpu.memory_space<hbm>>
      tpu.wait_dma2 semaphore(%run_scoped3A : memref<!tpu.dma_semaphore, #tpu.memory_space<semaphore_mem>>) src(%dma_wait3A_63 : memref<316x64xi32, #tpu.memory_space<hbm>>) dst(%arg7 : memref<316x64xi32, #tpu.memory_space<vmem>>)
      tpu.yield
    }) : () -> ()
    "tpu.region"() ({
      %run_scoped3A = tpu.sem_alloc : memref<!tpu.dma_semaphore, #tpu.memory_space<semaphore_mem>>
      %dma_start3A = arith.constant 0 : i32
      %dma_start3A_49 = arith.constant 0 : i32
      %dma_start3A_50 = tpu.memref_slice %arg4[%arg1, %dma_start3A, %dma_start3A_49] : memref<16x316x64xi32, #tpu.memory_space<hbm>> -> memref<1x316x64xi32, #tpu.memory_space<hbm>>
      %dma_start3A_51 = tpu.memref_squeeze %dma_start3A_50 : memref<1x316x64xi32, #tpu.memory_space<hbm>> -> memref<316x64xi32, #tpu.memory_space<hbm>>
      %dma_start3A_52 = arith.constant 0 : i32
      %dma_start3A_53 = arith.constant 0 : i32
      %dma_start3A_54 = tpu.memref_slice %arg4[%arg1, %dma_start3A_52, %dma_start3A_53] : memref<16x316x64xi32, #tpu.memory_space<hbm>> -> memref<1x316x64xi32, #tpu.memory_space<hbm>>
      %dma_start3A_55 = tpu.memref_squeeze %dma_start3A_54 : memref<1x316x64xi32, #tpu.memory_space<hbm>> -> memref<316x64xi32, #tpu.memory_space<hbm>>
      tpu.enqueue_dma source(%dma_start3A_55 : memref<316x64xi32, #tpu.memory_space<hbm>>) target(%arg8 : memref<316x64xi32, #tpu.memory_space<vmem>>) target_semaphore(%run_scoped3A : memref<!tpu.dma_semaphore, #tpu.memory_space<semaphore_mem>>)
      %dma_wait3A_56 = arith.constant 0 : i32
      %dma_wait3A_57 = arith.constant 0 : i32
      %dma_wait3A_58 = tpu.memref_slice %arg4[%arg1, %dma_wait3A_56, %dma_wait3A_57] : memref<16x316x64xi32, #tpu.memory_space<hbm>> -> memref<1x316x64xi32, #tpu.memory_space<hbm>>
      %dma_wait3A_59 = tpu.memref_squeeze %dma_wait3A_58 : memref<1x316x64xi32, #tpu.memory_space<hbm>> -> memref<316x64xi32, #tpu.memory_space<hbm>>
      %dma_wait3A_60 = arith.constant 0 : i32
      %dma_wait3A_61 = arith.constant 0 : i32
      %dma_wait3A_62 = tpu.memref_slice %arg4[%arg1, %dma_wait3A_60, %dma_wait3A_61] : memref<16x316x64xi32, #tpu.memory_space<hbm>> -> memref<1x316x64xi32, #tpu.memory_space<hbm>>
      %dma_wait3A_63 = tpu.memref_squeeze %dma_wait3A_62 : memref<1x316x64xi32, #tpu.memory_space<hbm>> -> memref<316x64xi32, #tpu.memory_space<hbm>>
      tpu.wait_dma2 semaphore(%run_scoped3A : memref<!tpu.dma_semaphore, #tpu.memory_space<semaphore_mem>>) src(%dma_wait3A_63 : memref<316x64xi32, #tpu.memory_space<hbm>>) dst(%arg8 : memref<316x64xi32, #tpu.memory_space<vmem>>)
      tpu.yield
    }) : () -> ()
    %broadcast_in_dim3A = arith.constant 0.000000e+00 : f32
    %broadcast_in_dim3A_0 = vector.broadcast %broadcast_in_dim3A : f32 to vector<16xf32>
    %scan3A = arith.constant 0 : i32
    %scan3A_1 = arith.constant 0 : i32
    %scan3A_2 = arith.constant 313 : i32
    %scan3A_3 = arith.addi %scan3A_1, %scan3A_2 : i32
    %scan3A_4 = arith.constant 1 : i32
    scf.for %scan3A_49 = %scan3A_1 to %scan3A_3 step %scan3A_4  : i32 {
      %swap3A = arith.index_cast %scan3A_49 : i32 to index
      %swap3A_50 = arith.constant 0 : index
      %swap3A_51 = tpu.vector_load %arg11[%swap3A, %swap3A_50] {strides = array<i32>} : memref<313x64xf32, #tpu.memory_space<vmem>>, vector<1x16xf32>,
      %swap3A_52 = vector.shape_cast %swap3A_51 : vector<1x16xf32> to vector<16xf32>
      %swap3A_53 = vector.shape_cast %broadcast_in_dim3A_0 : vector<16xf32> to vector<1x16xf32>
      tpu.vector_store %arg11[%swap3A, %swap3A_50], %swap3A_53 {strides = array<i32>} : memref<313x64xf32, #tpu.memory_space<vmem>>, vector<1x16xf32>,
      %swap3A_54 = arith.index_cast %scan3A_49 : i32 to index
      %swap3A_55 = arith.constant 16 : index
      %swap3A_56 = tpu.vector_load %arg11[%swap3A_54, %swap3A_55] {strides = array<i32>} : memref<313x64xf32, #tpu.memory_space<vmem>>, vector<1x16xf32>,
      %swap3A_57 = vector.shape_cast %swap3A_56 : vector<1x16xf32> to vector<16xf32>
      %swap3A_58 = vector.shape_cast %broadcast_in_dim3A_0 : vector<16xf32> to vector<1x16xf32>
      tpu.vector_store %arg11[%swap3A_54, %swap3A_55], %swap3A_58 {strides = array<i32>} : memref<313x64xf32, #tpu.memory_space<vmem>>, vector<1x16xf32>,
      %swap3A_59 = arith.index_cast %scan3A_49 : i32 to index
      %swap3A_60 = arith.constant 32 : index
      %swap3A_61 = tpu.vector_load %arg11[%swap3A_59, %swap3A_60] {strides = array<i32>} : memref<313x64xf32, #tpu.memory_space<vmem>>, vector<1x16xf32>,
      %swap3A_62 = vector.shape_cast %swap3A_61 : vector<1x16xf32> to vector<16xf32>
      %swap3A_63 = vector.shape_cast %broadcast_in_dim3A_0 : vector<16xf32> to vector<1x16xf32>
      tpu.vector_store %arg11[%swap3A_59, %swap3A_60], %swap3A_63 {strides = array<i32>} : memref<313x64xf32, #tpu.memory_space<vmem>>, vector<1x16xf32>,
      %swap3A_64 = arith.index_cast %scan3A_49 : i32 to index
      %swap3A_65 = arith.constant 48 : index
      %swap3A_66 = tpu.vector_load %arg11[%swap3A_64, %swap3A_65] {strides = array<i32>} : memref<313x64xf32, #tpu.memory_space<vmem>>, vector<1x16xf32>,
      %swap3A_67 = vector.shape_cast %swap3A_66 : vector<1x16xf32> to vector<16xf32>
      %swap3A_68 = vector.shape_cast %broadcast_in_dim3A_0 : vector<16xf32> to vector<1x16xf32>
      tpu.vector_store %arg11[%swap3A_64, %swap3A_65], %swap3A_68 {strides = array<i32>} : memref<313x64xf32, #tpu.memory_space<vmem>>, vector<1x16xf32>,
    }
    %scan3A_5 = arith.constant 313 : i32
    %mul3A = arith.constant 626 : i32
    %mul3A_6 = arith.muli %arg1, %mul3A : i32
    "tpu.region"() ({
      %run_scoped3A = tpu.sem_alloc : memref<!tpu.dma_semaphore, #tpu.memory_space<semaphore_mem>>
      %dma_start3A = arith.constant 0 : i32
      %dma_start3A_49 = tpu.memref_slice %arg12[%mul3A_6, %dma_start3A] : memref<10016x64xf32, #tpu.memory_space<vmem_shared>> -> memref<313x64xf32, #tpu.memory_space<vmem_shared>>
      %dma_start3A_50 = arith.constant 0 : i32
      %dma_start3A_51 = tpu.memref_slice %arg12[%mul3A_6, %dma_start3A_50] : memref<10016x64xf32, #tpu.memory_space<vmem_shared>> -> memref<313x64xf32, #tpu.memory_space<vmem_shared>>
      tpu.enqueue_dma source(%arg11 : memref<313x64xf32, #tpu.memory_space<vmem>>) target(%dma_start3A_51 : memref<313x64xf32, #tpu.memory_space<vmem_shared>>) target_semaphore(%run_scoped3A : memref<!tpu.dma_semaphore, #tpu.memory_space<semaphore_mem>>)
      %dma_wait3A_52 = arith.constant 0 : i32
      %dma_wait3A_53 = tpu.memref_slice %arg12[%mul3A_6, %dma_wait3A_52] : memref<10016x64xf32, #tpu.memory_space<vmem_shared>> -> memref<313x64xf32, #tpu.memory_space<vmem_shared>>
      %dma_wait3A_54 = arith.constant 0 : i32
      %dma_wait3A_55 = tpu.memref_slice %arg12[%mul3A_6, %dma_wait3A_54] : memref<10016x64xf32, #tpu.memory_space<vmem_shared>> -> memref<313x64xf32, #tpu.memory_space<vmem_shared>>
      tpu.wait_dma2 semaphore(%run_scoped3A : memref<!tpu.dma_semaphore, #tpu.memory_space<semaphore_mem>>) src(%arg11 : memref<313x64xf32, #tpu.memory_space<vmem>>) dst(%dma_wait3A_55 : memref<313x64xf32, #tpu.memory_space<vmem_shared>>)
      tpu.yield
    }) : () -> ()
    %add3A = arith.constant 313 : i32
    %add3A_7 = arith.addi %mul3A_6, %add3A : i32
    "tpu.region"() ({
      %run_scoped3A = tpu.sem_alloc : memref<!tpu.dma_semaphore, #tpu.memory_space<semaphore_mem>>
      %dma_start3A = arith.constant 0 : i32
      %dma_start3A_49 = tpu.memref_slice %arg12[%add3A_7, %dma_start3A] : memref<10016x64xf32, #tpu.memory_space<vmem_shared>> -> memref<313x64xf32, #tpu.memory_space<vmem_shared>>
      %dma_start3A_50 = arith.constant 0 : i32
      %dma_start3A_51 = tpu.memref_slice %arg12[%add3A_7, %dma_start3A_50] : memref<10016x64xf32, #tpu.memory_space<vmem_shared>> -> memref<313x64xf32, #tpu.memory_space<vmem_shared>>
      tpu.enqueue_dma source(%arg11 : memref<313x64xf32, #tpu.memory_space<vmem>>) target(%dma_start3A_51 : memref<313x64xf32, #tpu.memory_space<vmem_shared>>) target_semaphore(%run_scoped3A : memref<!tpu.dma_semaphore, #tpu.memory_space<semaphore_mem>>)
      %dma_wait3A_52 = arith.constant 0 : i32
      %dma_wait3A_53 = tpu.memref_slice %arg12[%add3A_7, %dma_wait3A_52] : memref<10016x64xf32, #tpu.memory_space<vmem_shared>> -> memref<313x64xf32, #tpu.memory_space<vmem_shared>>
      %dma_wait3A_54 = arith.constant 0 : i32
      %dma_wait3A_55 = tpu.memref_slice %arg12[%add3A_7, %dma_wait3A_54] : memref<10016x64xf32, #tpu.memory_space<vmem_shared>> -> memref<313x64xf32, #tpu.memory_space<vmem_shared>>
      tpu.wait_dma2 semaphore(%run_scoped3A : memref<!tpu.dma_semaphore, #tpu.memory_space<semaphore_mem>>) src(%arg11 : memref<313x64xf32, #tpu.memory_space<vmem>>) dst(%dma_wait3A_55 : memref<313x64xf32, #tpu.memory_space<vmem_shared>>)
      tpu.yield
    }) : () -> ()
    %broadcast_in_dim3A_8 = arith.constant 1.000000e+00 : f32
    %broadcast_in_dim3A_9 = vector.broadcast %broadcast_in_dim3A_8 : f32 to vector<16xf32>
    %scan3A_10 = arith.constant 0 : i32
    %scan3A_11 = arith.constant 0 : i32
    %scan3A_12 = arith.constant 64 : i32
    %scan3A_13 = arith.addi %scan3A_11, %scan3A_12 : i32
    %scan3A_14 = arith.constant 1 : i32
    scf.for %scan3A_49 = %scan3A_11 to %scan3A_13 step %scan3A_14  : i32 {
      %swap3A = arith.index_cast %scan3A_49 : i32 to index
      %swap3A_50 = arith.constant 0 : index
      %swap3A_51 = tpu.vector_load %arg17[%swap3A, %swap3A_50] {strides = array<i32>} : memref<64x16xf32, #tpu.memory_space<vmem>>, vector<1x16xf32>,
      %swap3A_52 = vector.shape_cast %swap3A_51 : vector<1x16xf32> to vector<16xf32>
      %swap3A_53 = vector.shape_cast %broadcast_in_dim3A_9 : vector<16xf32> to vector<1x16xf32>
      tpu.vector_store %arg17[%swap3A, %swap3A_50], %swap3A_53 {strides = array<i32>} : memref<64x16xf32, #tpu.memory_space<vmem>>, vector<1x16xf32>,
    }
    %scan3A_15 = arith.constant 64 : i32
    %scan3A_16 = arith.constant 0 : i32
    %scan3A_17 = arith.constant 0 : i32
    %scan3A_18 = arith.constant 626 : i32
    %scan3A_19 = arith.addi %scan3A_17, %scan3A_18 : i32
    %scan3A_20 = arith.constant 1 : i32
    scf.for %scan3A_49 = %scan3A_17 to %scan3A_19 step %scan3A_20  : i32 {
      %swap3A = arith.index_cast %scan3A_49 : i32 to index
      %swap3A_50 = arith.constant 0 : index
      %swap3A_51 = tpu.vector_load %arg18[%swap3A, %swap3A_50] {strides = array<i32>} : memref<626x16xf32, #tpu.memory_space<vmem>>, vector<1x16xf32>,
      %swap3A_52 = vector.shape_cast %swap3A_51 : vector<1x16xf32> to vector<16xf32>
      %swap3A_53 = vector.shape_cast %broadcast_in_dim3A_0 : vector<16xf32> to vector<1x16xf32>
      tpu.vector_store %arg18[%swap3A, %swap3A_50], %swap3A_53 {strides = array<i32>} : memref<626x16xf32, #tpu.memory_space<vmem>>, vector<1x16xf32>,
    }
    %scan3A_21 = arith.constant 626 : i32
    %eq3A = arith.constant 0 : i32
    %eq3A_22 = arith.cmpi eq, %arg0, %eq3A : i32
    %convert_element_type3A = arith.extui %eq3A_22 : i1 to i32
    %cond3A = arith.constant 0 : i32
    %cond3A_23 = arith.cmpi ne, %convert_element_type3A, %cond3A : i32
    scf.if %cond3A_23 {
      "tpu.region"() ({
        %run_scoped3A = tpu.sem_alloc : memref<!tpu.dma_semaphore, #tpu.memory_space<semaphore_mem>>
        %dma_start3A = arith.constant 0 : i32
        %dma_start3A_49 = tpu.memref_slice %arg19[%mul3A_6, %dma_start3A] : memref<10016x16xf32, #tpu.memory_space<vmem_shared>> -> memref<626x16xf32, #tpu.memory_space<vmem_shared>>
        %dma_start3A_50 = arith.constant 0 : i32
        %dma_start3A_51 = tpu.memref_slice %arg19[%mul3A_6, %dma_start3A_50] : memref<10016x16xf32, #tpu.memory_space<vmem_shared>> -> memref<626x16xf32, #tpu.memory_space<vmem_shared>>
        tpu.enqueue_dma source(%arg18 : memref<626x16xf32, #tpu.memory_space<vmem>>) target(%dma_start3A_51 : memref<626x16xf32, #tpu.memory_space<vmem_shared>>) target_semaphore(%run_scoped3A : memref<!tpu.dma_semaphore, #tpu.memory_space<semaphore_mem>>)
        %dma_wait3A_52 = arith.constant 0 : i32
        %dma_wait3A_53 = tpu.memref_slice %arg19[%mul3A_6, %dma_wait3A_52] : memref<10016x16xf32, #tpu.memory_space<vmem_shared>> -> memref<626x16xf32, #tpu.memory_space<vmem_shared>>
        %dma_wait3A_54 = arith.constant 0 : i32
        %dma_wait3A_55 = tpu.memref_slice %arg19[%mul3A_6, %dma_wait3A_54] : memref<10016x16xf32, #tpu.memory_space<vmem_shared>> -> memref<626x16xf32, #tpu.memory_space<vmem_shared>>
        tpu.wait_dma2 semaphore(%run_scoped3A : memref<!tpu.dma_semaphore, #tpu.memory_space<semaphore_mem>>) src(%arg18 : memref<626x16xf32, #tpu.memory_space<vmem>>) dst(%dma_wait3A_55 : memref<626x16xf32, #tpu.memory_space<vmem_shared>>)
        tpu.yield
      }) : () -> ()
    } else {
    }
    %barrier3A = arith.constant 0 : index
    tpu.barrier barrier_id(%barrier3A)
    %scan3A_24 = arith.constant 0 : i32
    %scan3A_25 = arith.constant 0 : i32
    %scan3A_26 = arith.constant 158 : i32
    %scan3A_27 = arith.addi %scan3A_25, %scan3A_26 : i32
    %scan3A_28 = arith.constant 1 : i32
    scf.for %scan3A_49 = %scan3A_25 to %scan3A_27 step %scan3A_28  : i32 {
      %mul3A_50 = arith.constant 2 : i32
      %mul3A_51 = arith.muli %scan3A_49, %mul3A_50 : i32
      %gt3A = arith.constant 0 : i32
      %gt3A_52 = arith.cmpi sgt, %scan3A_49, %gt3A : i32
      %convert_element_type3A_53 = arith.extui %gt3A_52 : i1 to i32
      %cond3A_54 = arith.constant 0 : i32
      %cond3A_55 = arith.cmpi ne, %convert_element_type3A_53, %cond3A_54 : i32
      scf.if %cond3A_55 {
        %sub3A = arith.constant 2 : i32
        %sub3A_105 = arith.subi %mul3A_51, %sub3A : i32
        %dma_wait3A_106 = arith.constant 0 : i32
        %dma_wait3A_107 = tpu.memref_slice %arg8[%sub3A_105, %dma_wait3A_106] : memref<316x64xi32, #tpu.memory_space<vmem>> -> memref<1x64xi32, #tpu.memory_space<vmem>>
        %dma_wait3A_108 = tpu.memref_squeeze %dma_wait3A_107 : memref<1x64xi32, #tpu.memory_space<vmem>> -> memref<64xi32, #tpu.memory_space<vmem>>
        %dma_wait3A_109 = arith.constant 0 : i32
        %dma_wait3A_110 = arith.constant 0 : i32
        %dma_wait3A_111 = tpu.memref_slice %arg12[%dma_wait3A_109, %dma_wait3A_110] : memref<10016x64xf32, #tpu.memory_space<vmem_shared>> -> memref<10016x64xf32, #tpu.memory_space<vmem_shared>>
        tpu.wait_indirect_dma semaphore(%arg15 : memref<!tpu.dma_semaphore, #tpu.memory_space<semaphore_mem>>) src(%arg9 : memref<64x64xf32, #tpu.memory_space<vmem>>) dst(%dma_wait3A_111 : memref<10016x64xf32, #tpu.memory_space<vmem_shared>>)
        %sub3A_112 = arith.constant 1 : i32
        %sub3A_113 = arith.subi %mul3A_51, %sub3A_112 : i32
        %dma_wait3A_114 = arith.constant 0 : i32
        %dma_wait3A_115 = tpu.memref_slice %arg8[%sub3A_113, %dma_wait3A_114] : memref<316x64xi32, #tpu.memory_space<vmem>> -> memref<1x64xi32, #tpu.memory_space<vmem>>
        %dma_wait3A_116 = tpu.memref_squeeze %dma_wait3A_115 : memref<1x64xi32, #tpu.memory_space<vmem>> -> memref<64xi32, #tpu.memory_space<vmem>>
        %dma_wait3A_117 = arith.constant 0 : i32
        %dma_wait3A_118 = arith.constant 0 : i32
        %dma_wait3A_119 = tpu.memref_slice %arg12[%dma_wait3A_117, %dma_wait3A_118] : memref<10016x64xf32, #tpu.memory_space<vmem_shared>> -> memref<10016x64xf32, #tpu.memory_space<vmem_shared>>
        tpu.wait_indirect_dma semaphore(%arg16 : memref<!tpu.dma_semaphore, #tpu.memory_space<semaphore_mem>>) src(%arg10 : memref<64x64xf32, #tpu.memory_space<vmem>>) dst(%dma_wait3A_119 : memref<10016x64xf32, #tpu.memory_space<vmem_shared>>)
      } else {
      }
      %dma_start3A = arith.constant 0 : i32
      %dma_start3A_56 = tpu.memref_slice %arg7[%mul3A_51, %dma_start3A] : memref<316x64xi32, #tpu.memory_space<vmem>> -> memref<1x64xi32, #tpu.memory_space<vmem>>
      %dma_start3A_57 = tpu.memref_squeeze %dma_start3A_56 : memref<1x64xi32, #tpu.memory_space<vmem>> -> memref<64xi32, #tpu.memory_space<vmem>>
      %dma_start3A_58 = arith.constant 0 : i32
      %dma_start3A_59 = arith.constant 0 : i32
      %dma_start3A_60 = tpu.memref_slice %arg2[%dma_start3A_58, %dma_start3A_59] : memref<20000x64xf32, #tpu.memory_space<hbm>> -> memref<20000x64xf32, #tpu.memory_space<hbm>>
      tpu.enqueue_indirect_dma source(%dma_start3A_60 : memref<20000x64xf32, #tpu.memory_space<hbm>>) target(%arg9 : memref<64x64xf32, #tpu.memory_space<vmem>>) offsets(%dma_start3A_57 : memref<64xi32, #tpu.memory_space<vmem>>) semaphore(%arg13 : memref<!tpu.dma_semaphore, #tpu.memory_space<semaphore_mem>>)
      %add3A_61 = arith.constant 1 : i32
      %add3A_62 = arith.addi %mul3A_51, %add3A_61 : i32
      %dma_start3A_63 = arith.constant 0 : i32
      %dma_start3A_64 = tpu.memref_slice %arg7[%add3A_62, %dma_start3A_63] : memref<316x64xi32, #tpu.memory_space<vmem>> -> memref<1x64xi32, #tpu.memory_space<vmem>>
      %dma_start3A_65 = tpu.memref_squeeze %dma_start3A_64 : memref<1x64xi32, #tpu.memory_space<vmem>> -> memref<64xi32, #tpu.memory_space<vmem>>
      %dma_start3A_66 = arith.constant 0 : i32
      %dma_start3A_67 = arith.constant 0 : i32
      %dma_start3A_68 = tpu.memref_slice %arg2[%dma_start3A_66, %dma_start3A_67] : memref<20000x64xf32, #tpu.memory_space<hbm>> -> memref<20000x64xf32, #tpu.memory_space<hbm>>
      tpu.enqueue_indirect_dma source(%dma_start3A_68 : memref<20000x64xf32, #tpu.memory_space<hbm>>) target(%arg10 : memref<64x64xf32, #tpu.memory_space<vmem>>) offsets(%dma_start3A_65 : memref<64xi32, #tpu.memory_space<vmem>>) semaphore(%arg14 : memref<!tpu.dma_semaphore, #tpu.memory_space<semaphore_mem>>)
      %dma_wait3A_69 = arith.constant 0 : i32
      %dma_wait3A_70 = tpu.memref_slice %arg7[%mul3A_51, %dma_wait3A_69] : memref<316x64xi32, #tpu.memory_space<vmem>> -> memref<1x64xi32, #tpu.memory_space<vmem>>
      %dma_wait3A_71 = tpu.memref_squeeze %dma_wait3A_70 : memref<1x64xi32, #tpu.memory_space<vmem>> -> memref<64xi32, #tpu.memory_space<vmem>>
      %dma_wait3A_72 = arith.constant 0 : i32
      %dma_wait3A_73 = arith.constant 0 : i32
      %dma_wait3A_74 = tpu.memref_slice %arg2[%dma_wait3A_72, %dma_wait3A_73] : memref<20000x64xf32, #tpu.memory_space<hbm>> -> memref<20000x64xf32, #tpu.memory_space<hbm>>
      tpu.wait_indirect_dma semaphore(%arg13 : memref<!tpu.dma_semaphore, #tpu.memory_space<semaphore_mem>>) src(%dma_wait3A_74 : memref<20000x64xf32, #tpu.memory_space<hbm>>) dst(%arg9 : memref<64x64xf32, #tpu.memory_space<vmem>>)
      %dma_start3A_75 = arith.constant 0 : i32
      %dma_start3A_76 = tpu.memref_slice %arg8[%mul3A_51, %dma_start3A_75] : memref<316x64xi32, #tpu.memory_space<vmem>> -> memref<1x64xi32, #tpu.memory_space<vmem>>
      %dma_start3A_77 = tpu.memref_squeeze %dma_start3A_76 : memref<1x64xi32, #tpu.memory_space<vmem>> -> memref<64xi32, #tpu.memory_space<vmem>>
      %dma_start3A_78 = arith.constant 0 : i32
      %dma_start3A_79 = arith.constant 0 : i32
      %dma_start3A_80 = tpu.memref_slice %arg12[%dma_start3A_78, %dma_start3A_79] : memref<10016x64xf32, #tpu.memory_space<vmem_shared>> -> memref<10016x64xf32, #tpu.memory_space<vmem_shared>>
      tpu.enqueue_indirect_dma source(%arg9 : memref<64x64xf32, #tpu.memory_space<vmem>>) target(%dma_start3A_80 : memref<10016x64xf32, #tpu.memory_space<vmem_shared>>) offsets(%dma_start3A_77 : memref<64xi32, #tpu.memory_space<vmem>>) semaphore(%arg15 : memref<!tpu.dma_semaphore, #tpu.memory_space<semaphore_mem>>) {add = true}
      %eq3A_81 = arith.constant 0 : i32
      %eq3A_82 = arith.cmpi eq, %arg0, %eq3A_81 : i32
      %convert_element_type3A_83 = arith.extui %eq3A_82 : i1 to i32
      %cond3A_84 = arith.constant 0 : i32
      %cond3A_85 = arith.cmpi ne, %convert_element_type3A_83, %cond3A_84 : i32
      scf.if %cond3A_85 {
        "tpu.region"() ({
          %run_scoped3A = tpu.sem_alloc : memref<!tpu.dma_semaphore, #tpu.memory_space<semaphore_mem>>
          %dma_start3A_105 = arith.constant 0 : i32
          %dma_start3A_106 = tpu.memref_slice %arg8[%mul3A_51, %dma_start3A_105] : memref<316x64xi32, #tpu.memory_space<vmem>> -> memref<1x64xi32, #tpu.memory_space<vmem>>
          %dma_start3A_107 = tpu.memref_squeeze %dma_start3A_106 : memref<1x64xi32, #tpu.memory_space<vmem>> -> memref<64xi32, #tpu.memory_space<vmem>>
          %dma_start3A_108 = arith.constant 0 : i32
          %dma_start3A_109 = arith.constant 0 : i32
          %dma_start3A_110 = tpu.memref_slice %arg19[%dma_start3A_108, %dma_start3A_109] : memref<10016x16xf32, #tpu.memory_space<vmem_shared>> -> memref<10016x16xf32, #tpu.memory_space<vmem_shared>>
          tpu.enqueue_indirect_dma source(%arg17 : memref<64x16xf32, #tpu.memory_space<vmem>>) target(%dma_start3A_110 : memref<10016x16xf32, #tpu.memory_space<vmem_shared>>) offsets(%dma_start3A_107 : memref<64xi32, #tpu.memory_space<vmem>>) semaphore(%run_scoped3A : memref<!tpu.dma_semaphore, #tpu.memory_space<semaphore_mem>>) {add = true}
          %dma_wait3A_111 = arith.constant 0 : i32
          %dma_wait3A_112 = tpu.memref_slice %arg8[%mul3A_51, %dma_wait3A_111] : memref<316x64xi32, #tpu.memory_space<vmem>> -> memref<1x64xi32, #tpu.memory_space<vmem>>
          %dma_wait3A_113 = tpu.memref_squeeze %dma_wait3A_112 : memref<1x64xi32, #tpu.memory_space<vmem>> -> memref<64xi32, #tpu.memory_space<vmem>>
          %dma_wait3A_114 = arith.constant 0 : i32
          %dma_wait3A_115 = arith.constant 0 : i32
          %dma_wait3A_116 = tpu.memref_slice %arg19[%dma_wait3A_114, %dma_wait3A_115] : memref<10016x16xf32, #tpu.memory_space<vmem_shared>> -> memref<10016x16xf32, #tpu.memory_space<vmem_shared>>
          tpu.wait_indirect_dma semaphore(%run_scoped3A : memref<!tpu.dma_semaphore, #tpu.memory_space<semaphore_mem>>) src(%arg17 : memref<64x16xf32, #tpu.memory_space<vmem>>) dst(%dma_wait3A_116 : memref<10016x16xf32, #tpu.memory_space<vmem_shared>>)
          tpu.yield
        }) : () -> ()
      } else {
      }
      %dma_wait3A_86 = arith.constant 0 : i32
      %dma_wait3A_87 = tpu.memref_slice %arg7[%add3A_62, %dma_wait3A_86] : memref<316x64xi32, #tpu.memory_space<vmem>> -> memref<1x64xi32, #tpu.memory_space<vmem>>
      %dma_wait3A_88 = tpu.memref_squeeze %dma_wait3A_87 : memref<1x64xi32, #tpu.memory_space<vmem>> -> memref<64xi32, #tpu.memory_space<vmem>>
      %dma_wait3A_89 = arith.constant 0 : i32
      %dma_wait3A_90 = arith.constant 0 : i32
      %dma_wait3A_91 = tpu.memref_slice %arg2[%dma_wait3A_89, %dma_wait3A_90] : memref<20000x64xf32, #tpu.memory_space<hbm>> -> memref<20000x64xf32, #tpu.memory_space<hbm>>
      tpu.wait_indirect_dma semaphore(%arg14 : memref<!tpu.dma_semaphore, #tpu.memory_space<semaphore_mem>>) src(%dma_wait3A_91 : memref<20000x64xf32, #tpu.memory_space<hbm>>) dst(%arg10 : memref<64x64xf32, #tpu.memory_space<vmem>>)
      %add3A_92 = arith.constant 1 : i32
      %add3A_93 = arith.addi %mul3A_51, %add3A_92 : i32
      %dma_start3A_94 = arith.constant 0 : i32
      %dma_start3A_95 = tpu.memref_slice %arg8[%add3A_93, %dma_start3A_94] : memref<316x64xi32, #tpu.memory_space<vmem>> -> memref<1x64xi32, #tpu.memory_space<vmem>>
      %dma_start3A_96 = tpu.memref_squeeze %dma_start3A_95 : memref<1x64xi32, #tpu.memory_space<vmem>> -> memref<64xi32, #tpu.memory_space<vmem>>
      %dma_start3A_97 = arith.constant 0 : i32
      %dma_start3A_98 = arith.constant 0 : i32
      %dma_start3A_99 = tpu.memref_slice %arg12[%dma_start3A_97, %dma_start3A_98] : memref<10016x64xf32, #tpu.memory_space<vmem_shared>> -> memref<10016x64xf32, #tpu.memory_space<vmem_shared>>
      tpu.enqueue_indirect_dma source(%arg10 : memref<64x64xf32, #tpu.memory_space<vmem>>) target(%dma_start3A_99 : memref<10016x64xf32, #tpu.memory_space<vmem_shared>>) offsets(%dma_start3A_96 : memref<64xi32, #tpu.memory_space<vmem>>) semaphore(%arg16 : memref<!tpu.dma_semaphore, #tpu.memory_space<semaphore_mem>>) {add = true}
      %eq3A_100 = arith.constant 0 : i32
      %eq3A_101 = arith.cmpi eq, %arg0, %eq3A_100 : i32
      %convert_element_type3A_102 = arith.extui %eq3A_101 : i1 to i32
      %cond3A_103 = arith.constant 0 : i32
      %cond3A_104 = arith.cmpi ne, %convert_element_type3A_102, %cond3A_103 : i32
      scf.if %cond3A_104 {
        "tpu.region"() ({
          %run_scoped3A = tpu.sem_alloc : memref<!tpu.dma_semaphore, #tpu.memory_space<semaphore_mem>>
          %dma_start3A_105 = arith.constant 0 : i32
          %dma_start3A_106 = tpu.memref_slice %arg8[%add3A_93, %dma_start3A_105] : memref<316x64xi32, #tpu.memory_space<vmem>> -> memref<1x64xi32, #tpu.memory_space<vmem>>
          %dma_start3A_107 = tpu.memref_squeeze %dma_start3A_106 : memref<1x64xi32, #tpu.memory_space<vmem>> -> memref<64xi32, #tpu.memory_space<vmem>>
          %dma_start3A_108 = arith.constant 0 : i32
          %dma_start3A_109 = arith.constant 0 : i32
          %dma_start3A_110 = tpu.memref_slice %arg19[%dma_start3A_108, %dma_start3A_109] : memref<10016x16xf32, #tpu.memory_space<vmem_shared>> -> memref<10016x16xf32, #tpu.memory_space<vmem_shared>>
          tpu.enqueue_indirect_dma source(%arg17 : memref<64x16xf32, #tpu.memory_space<vmem>>) target(%dma_start3A_110 : memref<10016x16xf32, #tpu.memory_space<vmem_shared>>) offsets(%dma_start3A_107 : memref<64xi32, #tpu.memory_space<vmem>>) semaphore(%run_scoped3A : memref<!tpu.dma_semaphore, #tpu.memory_space<semaphore_mem>>) {add = true}
          %dma_wait3A_111 = arith.constant 0 : i32
          %dma_wait3A_112 = tpu.memref_slice %arg8[%add3A_93, %dma_wait3A_111] : memref<316x64xi32, #tpu.memory_space<vmem>> -> memref<1x64xi32, #tpu.memory_space<vmem>>
          %dma_wait3A_113 = tpu.memref_squeeze %dma_wait3A_112 : memref<1x64xi32, #tpu.memory_space<vmem>> -> memref<64xi32, #tpu.memory_space<vmem>>
          %dma_wait3A_114 = arith.constant 0 : i32
          %dma_wait3A_115 = arith.constant 0 : i32
          %dma_wait3A_116 = tpu.memref_slice %arg19[%dma_wait3A_114, %dma_wait3A_115] : memref<10016x16xf32, #tpu.memory_space<vmem_shared>> -> memref<10016x16xf32, #tpu.memory_space<vmem_shared>>
          tpu.wait_indirect_dma semaphore(%run_scoped3A : memref<!tpu.dma_semaphore, #tpu.memory_space<semaphore_mem>>) src(%arg17 : memref<64x16xf32, #tpu.memory_space<vmem>>) dst(%dma_wait3A_116 : memref<10016x16xf32, #tpu.memory_space<vmem_shared>>)
          tpu.yield
        }) : () -> ()
      } else {
      }
    }
    %scan3A_29 = arith.constant 158 : i32
    %dma_wait3A = arith.constant 314 : i32
    %dma_wait3A_30 = arith.constant 0 : i32
    %dma_wait3A_31 = tpu.memref_slice %arg8[%dma_wait3A, %dma_wait3A_30] : memref<316x64xi32, #tpu.memory_space<vmem>> -> memref<1x64xi32, #tpu.memory_space<vmem>>
    %dma_wait3A_32 = tpu.memref_squeeze %dma_wait3A_31 : memref<1x64xi32, #tpu.memory_space<vmem>> -> memref<64xi32, #tpu.memory_space<vmem>>
    %dma_wait3A_33 = arith.constant 0 : i32
    %dma_wait3A_34 = arith.constant 0 : i32
    %dma_wait3A_35 = tpu.memref_slice %arg12[%dma_wait3A_33, %dma_wait3A_34] : memref<10016x64xf32, #tpu.memory_space<vmem_shared>> -> memref<10016x64xf32, #tpu.memory_space<vmem_shared>>
    tpu.wait_indirect_dma semaphore(%arg15 : memref<!tpu.dma_semaphore, #tpu.memory_space<semaphore_mem>>) src(%arg9 : memref<64x64xf32, #tpu.memory_space<vmem>>) dst(%dma_wait3A_35 : memref<10016x64xf32, #tpu.memory_space<vmem_shared>>)
    %dma_wait3A_36 = arith.constant 315 : i32
    %dma_wait3A_37 = arith.constant 0 : i32
    %dma_wait3A_38 = tpu.memref_slice %arg8[%dma_wait3A_36, %dma_wait3A_37] : memref<316x64xi32, #tpu.memory_space<vmem>> -> memref<1x64xi32, #tpu.memory_space<vmem>>
    %dma_wait3A_39 = tpu.memref_squeeze %dma_wait3A_38 : memref<1x64xi32, #tpu.memory_space<vmem>> -> memref<64xi32, #tpu.memory_space<vmem>>
    %dma_wait3A_40 = arith.constant 0 : i32
    %dma_wait3A_41 = arith.constant 0 : i32
    %dma_wait3A_42 = tpu.memref_slice %arg12[%dma_wait3A_40, %dma_wait3A_41] : memref<10016x64xf32, #tpu.memory_space<vmem_shared>> -> memref<10016x64xf32, #tpu.memory_space<vmem_shared>>
    tpu.wait_indirect_dma semaphore(%arg16 : memref<!tpu.dma_semaphore, #tpu.memory_space<semaphore_mem>>) src(%arg10 : memref<64x64xf32, #tpu.memory_space<vmem>>) dst(%dma_wait3A_42 : memref<10016x64xf32, #tpu.memory_space<vmem_shared>>)
    %barrier3A_43 = arith.constant 0 : index
    tpu.barrier barrier_id(%barrier3A_43)
    "tpu.region"() ({
      %run_scoped3A = tpu.sem_alloc : memref<!tpu.dma_semaphore, #tpu.memory_space<semaphore_mem>>
      %dma_start3A = arith.constant 0 : i32
      %dma_start3A_49 = tpu.memref_slice %arg5[%arg0, %mul3A_6, %dma_start3A] : memref<2x10016x64xf32, #tpu.memory_space<hbm>> -> memref<1x626x64xf32, #tpu.memory_space<hbm>>
      %dma_start3A_50 = tpu.memref_squeeze %dma_start3A_49 : memref<1x626x64xf32, #tpu.memory_space<hbm>> -> memref<626x64xf32, #tpu.memory_space<hbm>>
      %dma_start3A_51 = arith.constant 0 : i32
      %dma_start3A_52 = tpu.memref_slice %arg12[%mul3A_6, %dma_start3A_51] : memref<10016x64xf32, #tpu.memory_space<vmem_shared>> -> memref<626x64xf32, #tpu.memory_space<vmem_shared>>
      tpu.enqueue_dma source(%dma_start3A_52 : memref<626x64xf32, #tpu.memory_space<vmem_shared>>) target(%dma_start3A_50 : memref<626x64xf32, #tpu.memory_space<hbm>>) target_semaphore(%run_scoped3A : memref<!tpu.dma_semaphore, #tpu.memory_space<semaphore_mem>>)
      %dma_wait3A_53 = arith.constant 0 : i32
      %dma_wait3A_54 = tpu.memref_slice %arg5[%arg0, %mul3A_6, %dma_wait3A_53] : memref<2x10016x64xf32, #tpu.memory_space<hbm>> -> memref<1x626x64xf32, #tpu.memory_space<hbm>>
      %dma_wait3A_55 = tpu.memref_squeeze %dma_wait3A_54 : memref<1x626x64xf32, #tpu.memory_space<hbm>> -> memref<626x64xf32, #tpu.memory_space<hbm>>
      %dma_wait3A_56 = arith.constant 0 : i32
      %dma_wait3A_57 = tpu.memref_slice %arg12[%mul3A_6, %dma_wait3A_56] : memref<10016x64xf32, #tpu.memory_space<vmem_shared>> -> memref<626x64xf32, #tpu.memory_space<vmem_shared>>
      tpu.wait_dma2 semaphore(%run_scoped3A : memref<!tpu.dma_semaphore, #tpu.memory_space<semaphore_mem>>) src(%dma_wait3A_57 : memref<626x64xf32, #tpu.memory_space<vmem_shared>>) dst(%dma_wait3A_55 : memref<626x64xf32, #tpu.memory_space<hbm>>)
      tpu.yield
    }) : () -> ()
    %eq3A_44 = arith.constant 0 : i32
    %eq3A_45 = arith.cmpi eq, %arg0, %eq3A_44 : i32
    %convert_element_type3A_46 = arith.extui %eq3A_45 : i1 to i32
    %cond3A_47 = arith.constant 0 : i32
    %cond3A_48 = arith.cmpi ne, %convert_element_type3A_46, %cond3A_47 : i32
    scf.if %cond3A_48 {
      "tpu.region"() ({
        %run_scoped3A = tpu.sem_alloc : memref<!tpu.dma_semaphore, #tpu.memory_space<semaphore_mem>>
        %dma_start3A = arith.constant 0 : i32
        %dma_start3A_49 = tpu.memref_slice %arg6[%mul3A_6, %dma_start3A] : memref<10016x16xf32, #tpu.memory_space<hbm>> -> memref<626x16xf32, #tpu.memory_space<hbm>>
        %dma_start3A_50 = arith.constant 0 : i32
        %dma_start3A_51 = tpu.memref_slice %arg19[%mul3A_6, %dma_start3A_50] : memref<10016x16xf32, #tpu.memory_space<vmem_shared>> -> memref<626x16xf32, #tpu.memory_space<vmem_shared>>
        tpu.enqueue_dma source(%dma_start3A_51 : memref<626x16xf32, #tpu.memory_space<vmem_shared>>) target(%dma_start3A_49 : memref<626x16xf32, #tpu.memory_space<hbm>>) target_semaphore(%run_scoped3A : memref<!tpu.dma_semaphore, #tpu.memory_space<semaphore_mem>>)
        %dma_wait3A_52 = arith.constant 0 : i32
        %dma_wait3A_53 = tpu.memref_slice %arg6[%mul3A_6, %dma_wait3A_52] : memref<10016x16xf32, #tpu.memory_space<hbm>> -> memref<626x16xf32, #tpu.memory_space<hbm>>
        %dma_wait3A_54 = arith.constant 0 : i32
        %dma_wait3A_55 = tpu.memref_slice %arg19[%mul3A_6, %dma_wait3A_54] : memref<10016x16xf32, #tpu.memory_space<vmem_shared>> -> memref<626x16xf32, #tpu.memory_space<vmem_shared>>
        tpu.wait_dma2 semaphore(%run_scoped3A : memref<!tpu.dma_semaphore, #tpu.memory_space<semaphore_mem>>) src(%dma_wait3A_55 : memref<626x16xf32, #tpu.memory_space<vmem_shared>>) dst(%dma_wait3A_53 : memref<626x16xf32, #tpu.memory_space<hbm>>)
        tpu.yield
      }) : () -> ()
    } else {
    }
    return
  }
}

#map = affine_map<(d0, d1) -> (0, 0)>
#map1 = affine_map<(d0, d1) -> (0, 0, 0, 0)>
#map2 = affine_map<(d0, d1) -> (0, 0, 0)>
module attributes {stable_mosaic.version = 14 : i64} {
  func.func @body(%arg0: i32, %arg1: i32, %arg2: memref<20000x32xf32, #tpu.memory_space<hbm>>, %arg3: memref<2x16x158x128xi32, #tpu.memory_space<hbm>>, %arg4: memref<16x158x128xi32, #tpu.memory_space<hbm>>, %arg5: memref<2x10016x32xf32, #tpu.memory_space<hbm>>, %arg6: memref<158x128xi32, #tpu.memory_space<vmem>>, %arg7: memref<158x128xi32, #tpu.memory_space<vmem>>, %arg8: memref<128x32xf32, #tpu.memory_space<vmem>>, %arg9: memref<128x32xf32, #tpu.memory_space<vmem>>, %arg10: memref<313x32xf32, #tpu.memory_space<vmem>>, %arg11: memref<10016x32xf32, #tpu.memory_space<vmem_shared>>, %arg12: memref<!tpu.dma_semaphore, #tpu.memory_space<semaphore_mem>>, %arg13: memref<!tpu.dma_semaphore, #tpu.memory_space<semaphore_mem>>, %arg14: memref<!tpu.dma_semaphore, #tpu.memory_space<semaphore_mem>>, %arg15: memref<!tpu.dma_semaphore, #tpu.memory_space<semaphore_mem>>) attributes {dimension_semantics = [#tpu.dimension_semantics<core_parallel>, #tpu.dimension_semantics<subcore_parallel>], iteration_bounds = array<i64: 2, 16>, scalar_prefetch = 0 : i64, scratch_operands = 10 : i64, tpu.core_type = #tpu.core_type<sc_vector_subcore>, window_params = [{transform_indices = #map}, {transform_indices = #map1}, {transform_indices = #map2}, {transform_indices = #map2}]} {
    "tpu.region"() ({
      %run_scoped3A = tpu.sem_alloc : memref<!tpu.dma_semaphore, #tpu.memory_space<semaphore_mem>>
      %dma_start3A = arith.constant 0 : i32
      %dma_start3A_28 = arith.constant 0 : i32
      %dma_start3A_29 = tpu.memref_slice %arg3[%arg0, %arg1, %dma_start3A, %dma_start3A_28] : memref<2x16x158x128xi32, #tpu.memory_space<hbm>> -> memref<1x1x158x128xi32, #tpu.memory_space<hbm>>
      %dma_start3A_30 = tpu.memref_squeeze %dma_start3A_29 : memref<1x1x158x128xi32, #tpu.memory_space<hbm>> -> memref<158x128xi32, #tpu.memory_space<hbm>>
      %dma_start3A_31 = arith.constant 0 : i32
      %dma_start3A_32 = arith.constant 0 : i32
      %dma_start3A_33 = tpu.memref_slice %arg3[%arg0, %arg1, %dma_start3A_31, %dma_start3A_32] : memref<2x16x158x128xi32, #tpu.memory_space<hbm>> -> memref<1x1x158x128xi32, #tpu.memory_space<hbm>>
      %dma_start3A_34 = tpu.memref_squeeze %dma_start3A_33 : memref<1x1x158x128xi32, #tpu.memory_space<hbm>> -> memref<158x128xi32, #tpu.memory_space<hbm>>
      tpu.enqueue_dma source(%dma_start3A_34 : memref<158x128xi32, #tpu.memory_space<hbm>>) target(%arg6 : memref<158x128xi32, #tpu.memory_space<vmem>>) target_semaphore(%run_scoped3A : memref<!tpu.dma_semaphore, #tpu.memory_space<semaphore_mem>>)
      %dma_wait3A_35 = arith.constant 0 : i32
      %dma_wait3A_36 = arith.constant 0 : i32
      %dma_wait3A_37 = tpu.memref_slice %arg3[%arg0, %arg1, %dma_wait3A_35, %dma_wait3A_36] : memref<2x16x158x128xi32, #tpu.memory_space<hbm>> -> memref<1x1x158x128xi32, #tpu.memory_space<hbm>>
      %dma_wait3A_38 = tpu.memref_squeeze %dma_wait3A_37 : memref<1x1x158x128xi32, #tpu.memory_space<hbm>> -> memref<158x128xi32, #tpu.memory_space<hbm>>
      %dma_wait3A_39 = arith.constant 0 : i32
      %dma_wait3A_40 = arith.constant 0 : i32
      %dma_wait3A_41 = tpu.memref_slice %arg3[%arg0, %arg1, %dma_wait3A_39, %dma_wait3A_40] : memref<2x16x158x128xi32, #tpu.memory_space<hbm>> -> memref<1x1x158x128xi32, #tpu.memory_space<hbm>>
      %dma_wait3A_42 = tpu.memref_squeeze %dma_wait3A_41 : memref<1x1x158x128xi32, #tpu.memory_space<hbm>> -> memref<158x128xi32, #tpu.memory_space<hbm>>
      tpu.wait_dma2 semaphore(%run_scoped3A : memref<!tpu.dma_semaphore, #tpu.memory_space<semaphore_mem>>) src(%dma_wait3A_42 : memref<158x128xi32, #tpu.memory_space<hbm>>) dst(%arg6 : memref<158x128xi32, #tpu.memory_space<vmem>>)
      tpu.yield
    }) : () -> ()
    "tpu.region"() ({
      %run_scoped3A = tpu.sem_alloc : memref<!tpu.dma_semaphore, #tpu.memory_space<semaphore_mem>>
      %dma_start3A = arith.constant 0 : i32
      %dma_start3A_28 = arith.constant 0 : i32
      %dma_start3A_29 = tpu.memref_slice %arg4[%arg1, %dma_start3A, %dma_start3A_28] : memref<16x158x128xi32, #tpu.memory_space<hbm>> -> memref<1x158x128xi32, #tpu.memory_space<hbm>>
      %dma_start3A_30 = tpu.memref_squeeze %dma_start3A_29 : memref<1x158x128xi32, #tpu.memory_space<hbm>> -> memref<158x128xi32, #tpu.memory_space<hbm>>
      %dma_start3A_31 = arith.constant 0 : i32
      %dma_start3A_32 = arith.constant 0 : i32
      %dma_start3A_33 = tpu.memref_slice %arg4[%arg1, %dma_start3A_31, %dma_start3A_32] : memref<16x158x128xi32, #tpu.memory_space<hbm>> -> memref<1x158x128xi32, #tpu.memory_space<hbm>>
      %dma_start3A_34 = tpu.memref_squeeze %dma_start3A_33 : memref<1x158x128xi32, #tpu.memory_space<hbm>> -> memref<158x128xi32, #tpu.memory_space<hbm>>
      tpu.enqueue_dma source(%dma_start3A_34 : memref<158x128xi32, #tpu.memory_space<hbm>>) target(%arg7 : memref<158x128xi32, #tpu.memory_space<vmem>>) target_semaphore(%run_scoped3A : memref<!tpu.dma_semaphore, #tpu.memory_space<semaphore_mem>>)
      %dma_wait3A_35 = arith.constant 0 : i32
      %dma_wait3A_36 = arith.constant 0 : i32
      %dma_wait3A_37 = tpu.memref_slice %arg4[%arg1, %dma_wait3A_35, %dma_wait3A_36] : memref<16x158x128xi32, #tpu.memory_space<hbm>> -> memref<1x158x128xi32, #tpu.memory_space<hbm>>
      %dma_wait3A_38 = tpu.memref_squeeze %dma_wait3A_37 : memref<1x158x128xi32, #tpu.memory_space<hbm>> -> memref<158x128xi32, #tpu.memory_space<hbm>>
      %dma_wait3A_39 = arith.constant 0 : i32
      %dma_wait3A_40 = arith.constant 0 : i32
      %dma_wait3A_41 = tpu.memref_slice %arg4[%arg1, %dma_wait3A_39, %dma_wait3A_40] : memref<16x158x128xi32, #tpu.memory_space<hbm>> -> memref<1x158x128xi32, #tpu.memory_space<hbm>>
      %dma_wait3A_42 = tpu.memref_squeeze %dma_wait3A_41 : memref<1x158x128xi32, #tpu.memory_space<hbm>> -> memref<158x128xi32, #tpu.memory_space<hbm>>
      tpu.wait_dma2 semaphore(%run_scoped3A : memref<!tpu.dma_semaphore, #tpu.memory_space<semaphore_mem>>) src(%dma_wait3A_42 : memref<158x128xi32, #tpu.memory_space<hbm>>) dst(%arg7 : memref<158x128xi32, #tpu.memory_space<vmem>>)
      tpu.yield
    }) : () -> ()
    %broadcast_in_dim3A = arith.constant 0.000000e+00 : f32
    %broadcast_in_dim3A_0 = vector.broadcast %broadcast_in_dim3A : f32 to vector<16xf32>
    %scan3A = arith.constant 0 : i32
    %scan3A_1 = arith.constant 0 : i32
    %scan3A_2 = arith.constant 313 : i32
    %scan3A_3 = arith.addi %scan3A_1, %scan3A_2 : i32
    %scan3A_4 = arith.constant 1 : i32
    scf.for %scan3A_28 = %scan3A_1 to %scan3A_3 step %scan3A_4  : i32 {
      %swap3A = arith.index_cast %scan3A_28 : i32 to index
      %swap3A_29 = arith.constant 0 : index
      %swap3A_30 = tpu.vector_load %arg10[%swap3A, %swap3A_29] {strides = array<i32>} : memref<313x32xf32, #tpu.memory_space<vmem>>, vector<1x16xf32>,
      %swap3A_31 = vector.shape_cast %swap3A_30 : vector<1x16xf32> to vector<16xf32>
      %swap3A_32 = vector.shape_cast %broadcast_in_dim3A_0 : vector<16xf32> to vector<1x16xf32>
      tpu.vector_store %arg10[%swap3A, %swap3A_29], %swap3A_32 {strides = array<i32>} : memref<313x32xf32, #tpu.memory_space<vmem>>, vector<1x16xf32>,
      %swap3A_33 = arith.index_cast %scan3A_28 : i32 to index
      %swap3A_34 = arith.constant 16 : index
      %swap3A_35 = tpu.vector_load %arg10[%swap3A_33, %swap3A_34] {strides = array<i32>} : memref<313x32xf32, #tpu.memory_space<vmem>>, vector<1x16xf32>,
      %swap3A_36 = vector.shape_cast %swap3A_35 : vector<1x16xf32> to vector<16xf32>
      %swap3A_37 = vector.shape_cast %broadcast_in_dim3A_0 : vector<16xf32> to vector<1x16xf32>
      tpu.vector_store %arg10[%swap3A_33, %swap3A_34], %swap3A_37 {strides = array<i32>} : memref<313x32xf32, #tpu.memory_space<vmem>>, vector<1x16xf32>,
    }
    %scan3A_5 = arith.constant 313 : i32
    %mul3A = arith.constant 626 : i32
    %mul3A_6 = arith.muli %arg1, %mul3A : i32
    "tpu.region"() ({
      %run_scoped3A = tpu.sem_alloc : memref<!tpu.dma_semaphore, #tpu.memory_space<semaphore_mem>>
      %dma_start3A = arith.constant 0 : i32
      %dma_start3A_28 = tpu.memref_slice %arg11[%mul3A_6, %dma_start3A] : memref<10016x32xf32, #tpu.memory_space<vmem_shared>> -> memref<313x32xf32, #tpu.memory_space<vmem_shared>>
      %dma_start3A_29 = arith.constant 0 : i32
      %dma_start3A_30 = tpu.memref_slice %arg11[%mul3A_6, %dma_start3A_29] : memref<10016x32xf32, #tpu.memory_space<vmem_shared>> -> memref<313x32xf32, #tpu.memory_space<vmem_shared>>
      tpu.enqueue_dma source(%arg10 : memref<313x32xf32, #tpu.memory_space<vmem>>) target(%dma_start3A_30 : memref<313x32xf32, #tpu.memory_space<vmem_shared>>) target_semaphore(%run_scoped3A : memref<!tpu.dma_semaphore, #tpu.memory_space<semaphore_mem>>)
      %dma_wait3A_31 = arith.constant 0 : i32
      %dma_wait3A_32 = tpu.memref_slice %arg11[%mul3A_6, %dma_wait3A_31] : memref<10016x32xf32, #tpu.memory_space<vmem_shared>> -> memref<313x32xf32, #tpu.memory_space<vmem_shared>>
      %dma_wait3A_33 = arith.constant 0 : i32
      %dma_wait3A_34 = tpu.memref_slice %arg11[%mul3A_6, %dma_wait3A_33] : memref<10016x32xf32, #tpu.memory_space<vmem_shared>> -> memref<313x32xf32, #tpu.memory_space<vmem_shared>>
      tpu.wait_dma2 semaphore(%run_scoped3A : memref<!tpu.dma_semaphore, #tpu.memory_space<semaphore_mem>>) src(%arg10 : memref<313x32xf32, #tpu.memory_space<vmem>>) dst(%dma_wait3A_34 : memref<313x32xf32, #tpu.memory_space<vmem_shared>>)
      tpu.yield
    }) : () -> ()
    %add3A = arith.constant 313 : i32
    %add3A_7 = arith.addi %mul3A_6, %add3A : i32
    "tpu.region"() ({
      %run_scoped3A = tpu.sem_alloc : memref<!tpu.dma_semaphore, #tpu.memory_space<semaphore_mem>>
      %dma_start3A = arith.constant 0 : i32
      %dma_start3A_28 = tpu.memref_slice %arg11[%add3A_7, %dma_start3A] : memref<10016x32xf32, #tpu.memory_space<vmem_shared>> -> memref<313x32xf32, #tpu.memory_space<vmem_shared>>
      %dma_start3A_29 = arith.constant 0 : i32
      %dma_start3A_30 = tpu.memref_slice %arg11[%add3A_7, %dma_start3A_29] : memref<10016x32xf32, #tpu.memory_space<vmem_shared>> -> memref<313x32xf32, #tpu.memory_space<vmem_shared>>
      tpu.enqueue_dma source(%arg10 : memref<313x32xf32, #tpu.memory_space<vmem>>) target(%dma_start3A_30 : memref<313x32xf32, #tpu.memory_space<vmem_shared>>) target_semaphore(%run_scoped3A : memref<!tpu.dma_semaphore, #tpu.memory_space<semaphore_mem>>)
      %dma_wait3A_31 = arith.constant 0 : i32
      %dma_wait3A_32 = tpu.memref_slice %arg11[%add3A_7, %dma_wait3A_31] : memref<10016x32xf32, #tpu.memory_space<vmem_shared>> -> memref<313x32xf32, #tpu.memory_space<vmem_shared>>
      %dma_wait3A_33 = arith.constant 0 : i32
      %dma_wait3A_34 = tpu.memref_slice %arg11[%add3A_7, %dma_wait3A_33] : memref<10016x32xf32, #tpu.memory_space<vmem_shared>> -> memref<313x32xf32, #tpu.memory_space<vmem_shared>>
      tpu.wait_dma2 semaphore(%run_scoped3A : memref<!tpu.dma_semaphore, #tpu.memory_space<semaphore_mem>>) src(%arg10 : memref<313x32xf32, #tpu.memory_space<vmem>>) dst(%dma_wait3A_34 : memref<313x32xf32, #tpu.memory_space<vmem_shared>>)
      tpu.yield
    }) : () -> ()
    %barrier3A = arith.constant 0 : index
    tpu.barrier barrier_id(%barrier3A)
    %scan3A_8 = arith.constant 0 : i32
    %scan3A_9 = arith.constant 0 : i32
    %scan3A_10 = arith.constant 79 : i32
    %scan3A_11 = arith.addi %scan3A_9, %scan3A_10 : i32
    %scan3A_12 = arith.constant 1 : i32
    scf.for %scan3A_28 = %scan3A_9 to %scan3A_11 step %scan3A_12  : i32 {
      %mul3A_29 = arith.constant 2 : i32
      %mul3A_30 = arith.muli %scan3A_28, %mul3A_29 : i32
      %gt3A = arith.constant 0 : i32
      %gt3A_31 = arith.cmpi sgt, %scan3A_28, %gt3A : i32
      %convert_element_type3A = arith.extui %gt3A_31 : i1 to i32
      %cond3A = arith.constant 0 : i32
      %cond3A_32 = arith.cmpi ne, %convert_element_type3A, %cond3A : i32
      scf.if %cond3A_32 {
        %sub3A = arith.constant 2 : i32
        %sub3A_72 = arith.subi %mul3A_30, %sub3A : i32
        %dma_wait3A_73 = arith.constant 0 : i32
        %dma_wait3A_74 = tpu.memref_slice %arg7[%sub3A_72, %dma_wait3A_73] : memref<158x128xi32, #tpu.memory_space<vmem>> -> memref<1x128xi32, #tpu.memory_space<vmem>>
        %dma_wait3A_75 = tpu.memref_squeeze %dma_wait3A_74 : memref<1x128xi32, #tpu.memory_space<vmem>> -> memref<128xi32, #tpu.memory_space<vmem>>
        %dma_wait3A_76 = arith.constant 0 : i32
        %dma_wait3A_77 = arith.constant 0 : i32
        %dma_wait3A_78 = tpu.memref_slice %arg11[%dma_wait3A_76, %dma_wait3A_77] : memref<10016x32xf32, #tpu.memory_space<vmem_shared>> -> memref<10016x32xf32, #tpu.memory_space<vmem_shared>>
        tpu.wait_indirect_dma semaphore(%arg14 : memref<!tpu.dma_semaphore, #tpu.memory_space<semaphore_mem>>) src(%arg8 : memref<128x32xf32, #tpu.memory_space<vmem>>) dst(%dma_wait3A_78 : memref<10016x32xf32, #tpu.memory_space<vmem_shared>>)
        %sub3A_79 = arith.constant 1 : i32
        %sub3A_80 = arith.subi %mul3A_30, %sub3A_79 : i32
        %dma_wait3A_81 = arith.constant 0 : i32
        %dma_wait3A_82 = tpu.memref_slice %arg7[%sub3A_80, %dma_wait3A_81] : memref<158x128xi32, #tpu.memory_space<vmem>> -> memref<1x128xi32, #tpu.memory_space<vmem>>
        %dma_wait3A_83 = tpu.memref_squeeze %dma_wait3A_82 : memref<1x128xi32, #tpu.memory_space<vmem>> -> memref<128xi32, #tpu.memory_space<vmem>>
        %dma_wait3A_84 = arith.constant 0 : i32
        %dma_wait3A_85 = arith.constant 0 : i32
        %dma_wait3A_86 = tpu.memref_slice %arg11[%dma_wait3A_84, %dma_wait3A_85] : memref<10016x32xf32, #tpu.memory_space<vmem_shared>> -> memref<10016x32xf32, #tpu.memory_space<vmem_shared>>
        tpu.wait_indirect_dma semaphore(%arg15 : memref<!tpu.dma_semaphore, #tpu.memory_space<semaphore_mem>>) src(%arg9 : memref<128x32xf32, #tpu.memory_space<vmem>>) dst(%dma_wait3A_86 : memref<10016x32xf32, #tpu.memory_space<vmem_shared>>)
      } else {
      }
      %dma_start3A = arith.constant 0 : i32
      %dma_start3A_33 = tpu.memref_slice %arg6[%mul3A_30, %dma_start3A] : memref<158x128xi32, #tpu.memory_space<vmem>> -> memref<1x128xi32, #tpu.memory_space<vmem>>
      %dma_start3A_34 = tpu.memref_squeeze %dma_start3A_33 : memref<1x128xi32, #tpu.memory_space<vmem>> -> memref<128xi32, #tpu.memory_space<vmem>>
      %dma_start3A_35 = arith.constant 0 : i32
      %dma_start3A_36 = arith.constant 0 : i32
      %dma_start3A_37 = tpu.memref_slice %arg2[%dma_start3A_35, %dma_start3A_36] : memref<20000x32xf32, #tpu.memory_space<hbm>> -> memref<20000x32xf32, #tpu.memory_space<hbm>>
      tpu.enqueue_indirect_dma source(%dma_start3A_37 : memref<20000x32xf32, #tpu.memory_space<hbm>>) target(%arg8 : memref<128x32xf32, #tpu.memory_space<vmem>>) offsets(%dma_start3A_34 : memref<128xi32, #tpu.memory_space<vmem>>) semaphore(%arg12 : memref<!tpu.dma_semaphore, #tpu.memory_space<semaphore_mem>>)
      %add3A_38 = arith.constant 1 : i32
      %add3A_39 = arith.addi %mul3A_30, %add3A_38 : i32
      %dma_start3A_40 = arith.constant 0 : i32
      %dma_start3A_41 = tpu.memref_slice %arg6[%add3A_39, %dma_start3A_40] : memref<158x128xi32, #tpu.memory_space<vmem>> -> memref<1x128xi32, #tpu.memory_space<vmem>>
      %dma_start3A_42 = tpu.memref_squeeze %dma_start3A_41 : memref<1x128xi32, #tpu.memory_space<vmem>> -> memref<128xi32, #tpu.memory_space<vmem>>
      %dma_start3A_43 = arith.constant 0 : i32
      %dma_start3A_44 = arith.constant 0 : i32
      %dma_start3A_45 = tpu.memref_slice %arg2[%dma_start3A_43, %dma_start3A_44] : memref<20000x32xf32, #tpu.memory_space<hbm>> -> memref<20000x32xf32, #tpu.memory_space<hbm>>
      tpu.enqueue_indirect_dma source(%dma_start3A_45 : memref<20000x32xf32, #tpu.memory_space<hbm>>) target(%arg9 : memref<128x32xf32, #tpu.memory_space<vmem>>) offsets(%dma_start3A_42 : memref<128xi32, #tpu.memory_space<vmem>>) semaphore(%arg13 : memref<!tpu.dma_semaphore, #tpu.memory_space<semaphore_mem>>)
      %dma_wait3A_46 = arith.constant 0 : i32
      %dma_wait3A_47 = tpu.memref_slice %arg6[%mul3A_30, %dma_wait3A_46] : memref<158x128xi32, #tpu.memory_space<vmem>> -> memref<1x128xi32, #tpu.memory_space<vmem>>
      %dma_wait3A_48 = tpu.memref_squeeze %dma_wait3A_47 : memref<1x128xi32, #tpu.memory_space<vmem>> -> memref<128xi32, #tpu.memory_space<vmem>>
      %dma_wait3A_49 = arith.constant 0 : i32
      %dma_wait3A_50 = arith.constant 0 : i32
      %dma_wait3A_51 = tpu.memref_slice %arg2[%dma_wait3A_49, %dma_wait3A_50] : memref<20000x32xf32, #tpu.memory_space<hbm>> -> memref<20000x32xf32, #tpu.memory_space<hbm>>
      tpu.wait_indirect_dma semaphore(%arg12 : memref<!tpu.dma_semaphore, #tpu.memory_space<semaphore_mem>>) src(%dma_wait3A_51 : memref<20000x32xf32, #tpu.memory_space<hbm>>) dst(%arg8 : memref<128x32xf32, #tpu.memory_space<vmem>>)
      %dma_start3A_52 = arith.constant 0 : i32
      %dma_start3A_53 = tpu.memref_slice %arg7[%mul3A_30, %dma_start3A_52] : memref<158x128xi32, #tpu.memory_space<vmem>> -> memref<1x128xi32, #tpu.memory_space<vmem>>
      %dma_start3A_54 = tpu.memref_squeeze %dma_start3A_53 : memref<1x128xi32, #tpu.memory_space<vmem>> -> memref<128xi32, #tpu.memory_space<vmem>>
      %dma_start3A_55 = arith.constant 0 : i32
      %dma_start3A_56 = arith.constant 0 : i32
      %dma_start3A_57 = tpu.memref_slice %arg11[%dma_start3A_55, %dma_start3A_56] : memref<10016x32xf32, #tpu.memory_space<vmem_shared>> -> memref<10016x32xf32, #tpu.memory_space<vmem_shared>>
      tpu.enqueue_indirect_dma source(%arg8 : memref<128x32xf32, #tpu.memory_space<vmem>>) target(%dma_start3A_57 : memref<10016x32xf32, #tpu.memory_space<vmem_shared>>) offsets(%dma_start3A_54 : memref<128xi32, #tpu.memory_space<vmem>>) semaphore(%arg14 : memref<!tpu.dma_semaphore, #tpu.memory_space<semaphore_mem>>) {add = true}
      %dma_wait3A_58 = arith.constant 0 : i32
      %dma_wait3A_59 = tpu.memref_slice %arg6[%add3A_39, %dma_wait3A_58] : memref<158x128xi32, #tpu.memory_space<vmem>> -> memref<1x128xi32, #tpu.memory_space<vmem>>
      %dma_wait3A_60 = tpu.memref_squeeze %dma_wait3A_59 : memref<1x128xi32, #tpu.memory_space<vmem>> -> memref<128xi32, #tpu.memory_space<vmem>>
      %dma_wait3A_61 = arith.constant 0 : i32
      %dma_wait3A_62 = arith.constant 0 : i32
      %dma_wait3A_63 = tpu.memref_slice %arg2[%dma_wait3A_61, %dma_wait3A_62] : memref<20000x32xf32, #tpu.memory_space<hbm>> -> memref<20000x32xf32, #tpu.memory_space<hbm>>
      tpu.wait_indirect_dma semaphore(%arg13 : memref<!tpu.dma_semaphore, #tpu.memory_space<semaphore_mem>>) src(%dma_wait3A_63 : memref<20000x32xf32, #tpu.memory_space<hbm>>) dst(%arg9 : memref<128x32xf32, #tpu.memory_space<vmem>>)
      %add3A_64 = arith.constant 1 : i32
      %add3A_65 = arith.addi %mul3A_30, %add3A_64 : i32
      %dma_start3A_66 = arith.constant 0 : i32
      %dma_start3A_67 = tpu.memref_slice %arg7[%add3A_65, %dma_start3A_66] : memref<158x128xi32, #tpu.memory_space<vmem>> -> memref<1x128xi32, #tpu.memory_space<vmem>>
      %dma_start3A_68 = tpu.memref_squeeze %dma_start3A_67 : memref<1x128xi32, #tpu.memory_space<vmem>> -> memref<128xi32, #tpu.memory_space<vmem>>
      %dma_start3A_69 = arith.constant 0 : i32
      %dma_start3A_70 = arith.constant 0 : i32
      %dma_start3A_71 = tpu.memref_slice %arg11[%dma_start3A_69, %dma_start3A_70] : memref<10016x32xf32, #tpu.memory_space<vmem_shared>> -> memref<10016x32xf32, #tpu.memory_space<vmem_shared>>
      tpu.enqueue_indirect_dma source(%arg9 : memref<128x32xf32, #tpu.memory_space<vmem>>) target(%dma_start3A_71 : memref<10016x32xf32, #tpu.memory_space<vmem_shared>>) offsets(%dma_start3A_68 : memref<128xi32, #tpu.memory_space<vmem>>) semaphore(%arg15 : memref<!tpu.dma_semaphore, #tpu.memory_space<semaphore_mem>>) {add = true}
    }
    %scan3A_13 = arith.constant 79 : i32
    %dma_wait3A = arith.constant 156 : i32
    %dma_wait3A_14 = arith.constant 0 : i32
    %dma_wait3A_15 = tpu.memref_slice %arg7[%dma_wait3A, %dma_wait3A_14] : memref<158x128xi32, #tpu.memory_space<vmem>> -> memref<1x128xi32, #tpu.memory_space<vmem>>
    %dma_wait3A_16 = tpu.memref_squeeze %dma_wait3A_15 : memref<1x128xi32, #tpu.memory_space<vmem>> -> memref<128xi32, #tpu.memory_space<vmem>>
    %dma_wait3A_17 = arith.constant 0 : i32
    %dma_wait3A_18 = arith.constant 0 : i32
    %dma_wait3A_19 = tpu.memref_slice %arg11[%dma_wait3A_17, %dma_wait3A_18] : memref<10016x32xf32, #tpu.memory_space<vmem_shared>> -> memref<10016x32xf32, #tpu.memory_space<vmem_shared>>
    tpu.wait_indirect_dma semaphore(%arg14 : memref<!tpu.dma_semaphore, #tpu.memory_space<semaphore_mem>>) src(%arg8 : memref<128x32xf32, #tpu.memory_space<vmem>>) dst(%dma_wait3A_19 : memref<10016x32xf32, #tpu.memory_space<vmem_shared>>)
    %dma_wait3A_20 = arith.constant 157 : i32
    %dma_wait3A_21 = arith.constant 0 : i32
    %dma_wait3A_22 = tpu.memref_slice %arg7[%dma_wait3A_20, %dma_wait3A_21] : memref<158x128xi32, #tpu.memory_space<vmem>> -> memref<1x128xi32, #tpu.memory_space<vmem>>
    %dma_wait3A_23 = tpu.memref_squeeze %dma_wait3A_22 : memref<1x128xi32, #tpu.memory_space<vmem>> -> memref<128xi32, #tpu.memory_space<vmem>>
    %dma_wait3A_24 = arith.constant 0 : i32
    %dma_wait3A_25 = arith.constant 0 : i32
    %dma_wait3A_26 = tpu.memref_slice %arg11[%dma_wait3A_24, %dma_wait3A_25] : memref<10016x32xf32, #tpu.memory_space<vmem_shared>> -> memref<10016x32xf32, #tpu.memory_space<vmem_shared>>
    tpu.wait_indirect_dma semaphore(%arg15 : memref<!tpu.dma_semaphore, #tpu.memory_space<semaphore_mem>>) src(%arg9 : memref<128x32xf32, #tpu.memory_space<vmem>>) dst(%dma_wait3A_26 : memref<10016x32xf32, #tpu.memory_space<vmem_shared>>)
    %barrier3A_27 = arith.constant 0 : index
    tpu.barrier barrier_id(%barrier3A_27)
    "tpu.region"() ({
      %run_scoped3A = tpu.sem_alloc : memref<!tpu.dma_semaphore, #tpu.memory_space<semaphore_mem>>
      %dma_start3A = arith.constant 0 : i32
      %dma_start3A_28 = tpu.memref_slice %arg5[%arg0, %mul3A_6, %dma_start3A] : memref<2x10016x32xf32, #tpu.memory_space<hbm>> -> memref<1x626x32xf32, #tpu.memory_space<hbm>>
      %dma_start3A_29 = tpu.memref_squeeze %dma_start3A_28 : memref<1x626x32xf32, #tpu.memory_space<hbm>> -> memref<626x32xf32, #tpu.memory_space<hbm>>
      %dma_start3A_30 = arith.constant 0 : i32
      %dma_start3A_31 = tpu.memref_slice %arg11[%mul3A_6, %dma_start3A_30] : memref<10016x32xf32, #tpu.memory_space<vmem_shared>> -> memref<626x32xf32, #tpu.memory_space<vmem_shared>>
      tpu.enqueue_dma source(%dma_start3A_31 : memref<626x32xf32, #tpu.memory_space<vmem_shared>>) target(%dma_start3A_29 : memref<626x32xf32, #tpu.memory_space<hbm>>) target_semaphore(%run_scoped3A : memref<!tpu.dma_semaphore, #tpu.memory_space<semaphore_mem>>)
      %dma_wait3A_32 = arith.constant 0 : i32
      %dma_wait3A_33 = tpu.memref_slice %arg5[%arg0, %mul3A_6, %dma_wait3A_32] : memref<2x10016x32xf32, #tpu.memory_space<hbm>> -> memref<1x626x32xf32, #tpu.memory_space<hbm>>
      %dma_wait3A_34 = tpu.memref_squeeze %dma_wait3A_33 : memref<1x626x32xf32, #tpu.memory_space<hbm>> -> memref<626x32xf32, #tpu.memory_space<hbm>>
      %dma_wait3A_35 = arith.constant 0 : i32
      %dma_wait3A_36 = tpu.memref_slice %arg11[%mul3A_6, %dma_wait3A_35] : memref<10016x32xf32, #tpu.memory_space<vmem_shared>> -> memref<626x32xf32, #tpu.memory_space<vmem_shared>>
      tpu.wait_dma2 semaphore(%run_scoped3A : memref<!tpu.dma_semaphore, #tpu.memory_space<semaphore_mem>>) src(%dma_wait3A_36 : memref<626x32xf32, #tpu.memory_space<vmem_shared>>) dst(%dma_wait3A_34 : memref<626x32xf32, #tpu.memory_space<hbm>>)
      tpu.yield
    }) : () -> ()
    return
  }
}

module attributes {stable_mosaic.version = 14 : i64} {
  func.func @body(%arg0: i32, %arg1: memref<1000x128xf32, #tpu.memory_space<vmem>>, %arg2: memref<1000x1xf32, #tpu.memory_space<vmem>>, %arg3: memref<1000x128xf32, #tpu.memory_space<vmem>>, %arg4: memref<128x128xf32, #tpu.memory_space<vmem>>, %arg5: memref<1x128xf32, #tpu.memory_space<vmem>>, %arg6: memref<128x128xf32, #tpu.memory_space<vmem>>, %arg7: memref<128x64xf32, #tpu.memory_space<vmem>>, %arg8: memref<1000x128xf32, #tpu.memory_space<vmem>>, %arg9: memref<1000x64xf32, #tpu.memory_space<vmem>>) attributes {dimension_semantics = [#tpu.dimension_semantics<arbitrary>], iteration_bounds = array<i64: 10>, scalar_prefetch = 0 : i64, scratch_operands = 0 : i64, tpu.core_type = #tpu.core_type<tc>, window_params = [{transform_indices = @transform_0, window_bounds = array<i64: 1000, 128>}, {transform_indices = @transform_1, window_bounds = array<i64: 1000, 1>}, {transform_indices = @transform_2, window_bounds = array<i64: 1000, 128>}, {pipeline_mode = #tpu.pipeline_mode<synchronous>, transform_indices = @transform_3, window_bounds = array<i64: 128, 128>}, {pipeline_mode = #tpu.pipeline_mode<synchronous>, transform_indices = @transform_4, window_bounds = array<i64: 1, 128>}, {pipeline_mode = #tpu.pipeline_mode<synchronous>, transform_indices = @transform_5, window_bounds = array<i64: 128, 128>}, {pipeline_mode = #tpu.pipeline_mode<synchronous>, transform_indices = @transform_6, window_bounds = array<i64: 128, 64>}, {transform_indices = @transform_7, window_bounds = array<i64: 1000, 128>}, {transform_indices = @transform_8, window_bounds = array<i64: 1000, 64>}]} {
    %get3A = arith.constant 0 : index
    %get3A_0 = arith.constant 0 : index
    %get3A_1 = vector.load %arg2[%get3A, %get3A_0] : memref<1000x1xf32, #tpu.memory_space<vmem>>, vector<1000x1xf32>
    %max3A = arith.constant 1.000000e+00 : f32
    %max3A_2 = vector.broadcast %max3A : f32 to vector<1000x1xf32>
    %max3A_3 = arith.maximumf %get3A_1, %max3A_2 : vector<1000x1xf32>
    %div3A = arith.constant 1.000000e+00 : f32
    %div3A_4 = vector.broadcast %div3A : f32 to vector<1000x1xf32>
    %div3A_5 = arith.divf %div3A_4, %max3A_3 : vector<1000x1xf32>
    %get3A_6 = arith.constant 0 : index
    %get3A_7 = arith.constant 0 : index
    %get3A_8 = vector.load %arg1[%get3A_6, %get3A_7] : memref<1000x128xf32, #tpu.memory_space<vmem>>, vector<1000x128xf32>
    %mul3A = vector.broadcast %div3A_5 : vector<1000x1xf32> to vector<1000x128xf32>
    %mul3A_9 = arith.mulf %get3A_8, %mul3A : vector<1000x128xf32>
    %get3A_10 = arith.constant 0 : index
    %get3A_11 = arith.constant 0 : index
    %get3A_12 = vector.load %arg4[%get3A_10, %get3A_11] : memref<128x128xf32, #tpu.memory_space<vmem>>, vector<128x128xf32>
    %dot_general3A = arith.constant dense<0.000000e+00> : vector<1000x128xf32>
    %dot_general3A_13 = tpu.matmul %mul3A_9, %get3A_12, %dot_general3A {dimension_numbers = #tpu.dot_dimension_numbers<[1], [0], [0], [1], [0, 0, 1, 1], [], []>, transpose_lhs_hint = false} : vector<1000x128xf32>, vector<128x128xf32>, vector<1000x128xf32> -> vector<1000x128xf32>
    %get3A_14 = arith.constant 0 : index
    %get3A_15 = arith.constant 0 : index
    %get3A_16 = vector.load %arg3[%get3A_14, %get3A_15] : memref<1000x128xf32, #tpu.memory_space<vmem>>, vector<1000x128xf32>
    %get3A_17 = arith.constant 0 : index
    %get3A_18 = arith.constant 0 : index
    %get3A_19 = vector.load %arg6[%get3A_17, %get3A_18] : memref<128x128xf32, #tpu.memory_space<vmem>>, vector<128x128xf32>
    %dot_general3A_20 = arith.constant dense<0.000000e+00> : vector<1000x128xf32>
    %dot_general3A_21 = tpu.matmul %get3A_16, %get3A_19, %dot_general3A_20 {dimension_numbers = #tpu.dot_dimension_numbers<[1], [0], [0], [1], [0, 0, 1, 1], [], []>, transpose_lhs_hint = false} : vector<1000x128xf32>, vector<128x128xf32>, vector<1000x128xf32> -> vector<1000x128xf32>
    %add3A = arith.addf %dot_general3A_13, %dot_general3A_21 : vector<1000x128xf32>
    %get3A_22 = arith.constant 0 : index
    %get3A_23 = arith.constant 0 : index
    %get3A_24 = vector.load %arg5[%get3A_22, %get3A_23] : memref<1x128xf32, #tpu.memory_space<vmem>>, vector<1x128xf32>
    %add3A_25 = vector.broadcast %get3A_24 : vector<1x128xf32> to vector<1000x128xf32>
    %add3A_26 = arith.addf %add3A, %add3A_25 : vector<1000x128xf32>
    %max3A_27 = arith.constant 0.000000e+00 : f32
    %max3A_28 = vector.broadcast %max3A_27 : f32 to vector<1000x128xf32>
    %max3A_29 = arith.maximumf %add3A_26, %max3A_28 : vector<1000x128xf32>
    %swap3A = arith.constant 0 : index
    %swap3A_30 = arith.constant 0 : index
    %swap3A_31 = vector.load %arg8[%swap3A, %swap3A_30] : memref<1000x128xf32, #tpu.memory_space<vmem>>, vector<1000x128xf32>
    tpu.vector_store %arg8[%swap3A, %swap3A_30], %max3A_29 {strides = array<i32>} : memref<1000x128xf32, #tpu.memory_space<vmem>>, vector<1000x128xf32>,
    %get3A_32 = arith.constant 0 : index
    %get3A_33 = arith.constant 0 : index
    %get3A_34 = vector.load %arg7[%get3A_32, %get3A_33] : memref<128x64xf32, #tpu.memory_space<vmem>>, vector<128x64xf32>
    %dot_general3A_35 = arith.constant dense<0.000000e+00> : vector<1000x64xf32>
    %dot_general3A_36 = tpu.matmul %max3A_29, %get3A_34, %dot_general3A_35 {dimension_numbers = #tpu.dot_dimension_numbers<[1], [0], [0], [1], [0, 0, 1, 1], [], []>, transpose_lhs_hint = false} : vector<1000x128xf32>, vector<128x64xf32>, vector<1000x64xf32> -> vector<1000x64xf32>
    %swap3A_37 = arith.constant 0 : index
    %swap3A_38 = arith.constant 0 : index
    %swap3A_39 = vector.load %arg9[%swap3A_37, %swap3A_38] : memref<1000x64xf32, #tpu.memory_space<vmem>>, vector<1000x64xf32>
    tpu.vector_store %arg9[%swap3A_37, %swap3A_38], %dot_general3A_36 {strides = array<i32>} : memref<1000x64xf32, #tpu.memory_space<vmem>>, vector<1000x64xf32>,
    return
  }
  func.func @transform_0(%arg0: i32) -> (i32, i32) {
    %c0_i32 = arith.constant 0 : i32
    %c0_i32_0 = arith.constant 0 : i32
    return %arg0, %c0_i32 : i32, i32
  }
  func.func @transform_1(%arg0: i32) -> (i32, i32) {
    %c0_i32 = arith.constant 0 : i32
    %c0_i32_0 = arith.constant 0 : i32
    return %arg0, %c0_i32 : i32, i32
  }
  func.func @transform_2(%arg0: i32) -> (i32, i32) {
    %c0_i32 = arith.constant 0 : i32
    %c0_i32_0 = arith.constant 0 : i32
    return %arg0, %c0_i32 : i32, i32
  }
  func.func @transform_3(%arg0: i32) -> (i32, i32) {
    %c0_i32 = arith.constant 0 : i32
    %c0_i32_0 = arith.constant 0 : i32
    %c0_i32_1 = arith.constant 0 : i32
    return %c0_i32, %c0_i32_0 : i32, i32
  }
  func.func @transform_4(%arg0: i32) -> (i32, i32) {
    %c0_i32 = arith.constant 0 : i32
    %c0_i32_0 = arith.constant 0 : i32
    %c0_i32_1 = arith.constant 0 : i32
    return %c0_i32, %c0_i32_0 : i32, i32
  }
  func.func @transform_5(%arg0: i32) -> (i32, i32) {
    %c0_i32 = arith.constant 0 : i32
    %c0_i32_0 = arith.constant 0 : i32
    %c0_i32_1 = arith.constant 0 : i32
    return %c0_i32, %c0_i32_0 : i32, i32
  }
  func.func @transform_6(%arg0: i32) -> (i32, i32) {
    %c0_i32 = arith.constant 0 : i32
    %c0_i32_0 = arith.constant 0 : i32
    %c0_i32_1 = arith.constant 0 : i32
    return %c0_i32, %c0_i32_0 : i32, i32
  }
  func.func @transform_7(%arg0: i32) -> (i32, i32) {
    %c0_i32 = arith.constant 0 : i32
    %c0_i32_0 = arith.constant 0 : i32
    return %arg0, %c0_i32 : i32, i32
  }
  func.func @transform_8(%arg0: i32) -> (i32, i32) {
    %c0_i32 = arith.constant 0 : i32
    %c0_i32_0 = arith.constant 0 : i32
    return %arg0, %c0_i32 : i32, i32
  }
}

module attributes {stable_mosaic.version = 14 : i64} {
  func.func @body(%arg0: i32, %arg1: memref<1000x64xf32, #tpu.memory_space<vmem>>, %arg2: memref<1000x1xf32, #tpu.memory_space<vmem>>, %arg3: memref<1000x128xf32, #tpu.memory_space<vmem>>, %arg4: memref<128x64xf32, #tpu.memory_space<vmem>>, %arg5: memref<1x64xf32, #tpu.memory_space<vmem>>, %arg6: memref<1000x64xf32, #tpu.memory_space<vmem>>) attributes {dimension_semantics = [#tpu.dimension_semantics<arbitrary>], iteration_bounds = array<i64: 10>, scalar_prefetch = 0 : i64, scratch_operands = 0 : i64, tpu.core_type = #tpu.core_type<tc>, window_params = [{transform_indices = @transform_0, window_bounds = array<i64: 1000, 64>}, {transform_indices = @transform_1, window_bounds = array<i64: 1000, 1>}, {transform_indices = @transform_2, window_bounds = array<i64: 1000, 128>}, {pipeline_mode = #tpu.pipeline_mode<synchronous>, transform_indices = @transform_3, window_bounds = array<i64: 128, 64>}, {pipeline_mode = #tpu.pipeline_mode<synchronous>, transform_indices = @transform_4, window_bounds = array<i64: 1, 64>}, {transform_indices = @transform_5, window_bounds = array<i64: 1000, 64>}]} {
    %get3A = arith.constant 0 : index
    %get3A_0 = arith.constant 0 : index
    %get3A_1 = vector.load %arg2[%get3A, %get3A_0] : memref<1000x1xf32, #tpu.memory_space<vmem>>, vector<1000x1xf32>
    %max3A = arith.constant 1.000000e+00 : f32
    %max3A_2 = vector.broadcast %max3A : f32 to vector<1000x1xf32>
    %max3A_3 = arith.maximumf %get3A_1, %max3A_2 : vector<1000x1xf32>
    %div3A = arith.constant 1.000000e+00 : f32
    %div3A_4 = vector.broadcast %div3A : f32 to vector<1000x1xf32>
    %div3A_5 = arith.divf %div3A_4, %max3A_3 : vector<1000x1xf32>
    %get3A_6 = arith.constant 0 : index
    %get3A_7 = arith.constant 0 : index
    %get3A_8 = vector.load %arg1[%get3A_6, %get3A_7] : memref<1000x64xf32, #tpu.memory_space<vmem>>, vector<1000x64xf32>
    %mul3A = vector.broadcast %div3A_5 : vector<1000x1xf32> to vector<1000x64xf32>
    %mul3A_9 = arith.mulf %get3A_8, %mul3A : vector<1000x64xf32>
    %get3A_10 = arith.constant 0 : index
    %get3A_11 = arith.constant 0 : index
    %get3A_12 = vector.load %arg3[%get3A_10, %get3A_11] : memref<1000x128xf32, #tpu.memory_space<vmem>>, vector<1000x128xf32>
    %get3A_13 = arith.constant 0 : index
    %get3A_14 = arith.constant 0 : index
    %get3A_15 = vector.load %arg4[%get3A_13, %get3A_14] : memref<128x64xf32, #tpu.memory_space<vmem>>, vector<128x64xf32>
    %dot_general3A = arith.constant dense<0.000000e+00> : vector<1000x64xf32>
    %dot_general3A_16 = tpu.matmul %get3A_12, %get3A_15, %dot_general3A {dimension_numbers = #tpu.dot_dimension_numbers<[1], [0], [0], [1], [0, 0, 1, 1], [], []>, transpose_lhs_hint = false} : vector<1000x128xf32>, vector<128x64xf32>, vector<1000x64xf32> -> vector<1000x64xf32>
    %add3A = arith.addf %mul3A_9, %dot_general3A_16 : vector<1000x64xf32>
    %get3A_17 = arith.constant 0 : index
    %get3A_18 = arith.constant 0 : index
    %get3A_19 = vector.load %arg5[%get3A_17, %get3A_18] : memref<1x64xf32, #tpu.memory_space<vmem>>, vector<1x64xf32>
    %add3A_20 = vector.broadcast %get3A_19 : vector<1x64xf32> to vector<1000x64xf32>
    %add3A_21 = arith.addf %add3A, %add3A_20 : vector<1000x64xf32>
    %reduce_max3A = arith.constant dense<0xFF800000> : vector<1000xf32>
    %reduce_max3A_22 = vector.multi_reduction <maximumf>, %add3A_21, %reduce_max3A [1] : vector<1000x64xf32> to vector<1000xf32>
    %broadcast_in_dim3A = vector.shape_cast %reduce_max3A_22 : vector<1000xf32> to vector<1000x1xf32>
    %sub3A = vector.broadcast %broadcast_in_dim3A : vector<1000x1xf32> to vector<1000x64xf32>
    %sub3A_23 = arith.subf %add3A_21, %sub3A : vector<1000x64xf32>
    %exp3A = math.exp %sub3A_23 : vector<1000x64xf32>
    %reduce_sum3A = arith.constant dense<0.000000e+00> : vector<1000xf32>
    %reduce_sum3A_24 = vector.multi_reduction <add>, %exp3A, %reduce_sum3A [1] : vector<1000x64xf32> to vector<1000xf32>
    %broadcast_in_dim3A_25 = vector.shape_cast %reduce_sum3A_24 : vector<1000xf32> to vector<1000x1xf32>
    %log3A = math.log %broadcast_in_dim3A_25 : vector<1000x1xf32>
    %sub3A_26 = vector.broadcast %log3A : vector<1000x1xf32> to vector<1000x64xf32>
    %sub3A_27 = arith.subf %sub3A_23, %sub3A_26 : vector<1000x64xf32>
    %swap3A = arith.constant 0 : index
    %swap3A_28 = arith.constant 0 : index
    %swap3A_29 = vector.load %arg6[%swap3A, %swap3A_28] : memref<1000x64xf32, #tpu.memory_space<vmem>>, vector<1000x64xf32>
    tpu.vector_store %arg6[%swap3A, %swap3A_28], %sub3A_27 {strides = array<i32>} : memref<1000x64xf32, #tpu.memory_space<vmem>>, vector<1000x64xf32>,
    return
  }
  func.func @transform_0(%arg0: i32) -> (i32, i32) {
    %c0_i32 = arith.constant 0 : i32
    %c0_i32_0 = arith.constant 0 : i32
    return %arg0, %c0_i32 : i32, i32
  }
  func.func @transform_1(%arg0: i32) -> (i32, i32) {
    %c0_i32 = arith.constant 0 : i32
    %c0_i32_0 = arith.constant 0 : i32
    return %arg0, %c0_i32 : i32, i32
  }
  func.func @transform_2(%arg0: i32) -> (i32, i32) {
    %c0_i32 = arith.constant 0 : i32
    %c0_i32_0 = arith.constant 0 : i32
    return %arg0, %c0_i32 : i32, i32
  }
  func.func @transform_3(%arg0: i32) -> (i32, i32) {
    %c0_i32 = arith.constant 0 : i32
    %c0_i32_0 = arith.constant 0 : i32
    %c0_i32_1 = arith.constant 0 : i32
    return %c0_i32, %c0_i32_0 : i32, i32
  }
  func.func @transform_4(%arg0: i32) -> (i32, i32) {
    %c0_i32 = arith.constant 0 : i32
    %c0_i32_0 = arith.constant 0 : i32
    %c0_i32_1 = arith.constant 0 : i32
    return %c0_i32, %c0_i32_0 : i32, i32
  }
  func.func @transform_5(%arg0: i32) -> (i32, i32) {
    %c0_i32 = arith.constant 0 : i32
    %c0_i32_0 = arith.constant 0 : i32
    return %arg0, %c0_i32 : i32, i32
  }
}

</mosaic_0001>

<sc_bundles>
// kernel: kernel.6.cloned.1.call-start
scs
__scs_entry_jumppad:
0x0: {  	(pc) =	sbr.rel $0x88, $3  }
0x1: {  	(tag) =	ssettag $0x0;
	lr =	simm.s32 $0x1  }
0x2: {  	[smem:$0x3F99] =	sst lr;
	_ =	strace $0xD0000000  }
0x3: {  	_ = 	snop  }
0x4: {  	_ = 	snop  }
0x5: {  	_ = 	snop  }
0x6: {  	_ = 	snop  }
0x7: {  	_ = 	snop  }
__scs_overlays_trampoline_lowered:
0x8: {  	[smem:$0x3FA8] =	sst s0  }
0x9: {  	[smem:$0x3FA9] =	sst s1  }
0xa: {  	[smem:$0x3FAA] =	sst s2  }
0xb: {  	[smem:$0x3FAB] =	sst s3  }
0xc: {  	[smem:$0x3FAC] =	sst s4  }
0xd: {  	[smem:$0x3FAD] =	sst s5  }
0xe: {  	[smem:$0x3FAE] =	sst s6  }
0xf: {  	[smem:$0x3FAF] =	sst s7  }
0x10: {  	[smem:$0x3FB0] =	sst s8  }
0x11: {  	[smem:$0x3FB1] =	sst s9;
	s0 =	simm.s32 @!p0 $0x0  }
0x12: {  	s1 =	sld [smem:$0x3F97];
	s0 =	simm.s32 @p0 $0x1  }
0x13: {  	[smem:$0x3FB2] =	sst s0;
	s0 =	simm.s32 @!p1 $0x0  }
0x14: {  	s2 =	sld [smem:$0x3F96];
	s0 =	simm.s32 @p1 $0x1  }
0x15: {  	[smem:$0x3FB3] =	sst s0;
	s0 =	simm.s32 @!p2 $0x0  }
0x16: {  	s3 =	sld [smem:$0x3FDB];
	s0 =	simm.s32 @p2 $0x1  }
0x17: {  	s4 =	simm.s32 $0x1BF5;
	[smem:$0x3FB5] =	sst s0  }
0x18: {  	s0 =	sld [smem:$0x3F98];
	_ =	swait.ge [sflag:s4], $0x0  }
0x19: {  	s7 =	sld [smem:$0x3F99]  }
0x1a: {  	s8 =	sadd.s32 $0xFFFFE003, lr  }
0x1b: {  	s9 =	sadd.s32 $0xFFFFFEF7, lr;
	s5 =	simm.s32 $0xFFFFFFFF;
	p2 =	slt.u32 s8, $0xFFFFF086  }
0x1c: {  	p1 =	slt.u32 s9, $0xF7A;
	s5 =	simm.s32 @!p2 $0x0  }
0x1d: {  	s5 =	simm.s32 @p1 $0x1;
	p0 =	seq.s32 s7, s2  }
0x1e: {  	s7 =	smul.u32 @!p0 $0xF7A, s2;
	p2 =	seq.s32 @!p0 s5, $0x0  }
0x1f: {  	s9 =	smul.u32 $0xF7A, s1;
	s8 =	simm.s32 @!p0 $0x1BF5;
	p2 =	por !p2, p0  }
0x20: {  	[sflag:s8] =	ssyncset.s32 @!p0 $0xFFFFF086;
	s6 =	sadd.s32 @!p0 s3, s7;
	s7 =	simm.s32 @!p0 $0x108  }
0x21: {  	s3 =	sadd.s32 s3, s9;
	s6 =	sadd.s32 @!p0 $0x88, s6;
	s7 =	simm.s32 @p2 $0x1082  }
0x22: {  	[simem:s7], [sflag:s8] =	dma.local @!p0 [hbm:s6], $0xF7A  }
0x23: {  	s9 =	sor.u32 $0xD0000000, s2;
	s6 =	simm.s32 $0x108;
	_ =	swait.ge @!p0 [sflag:s8], $0x0  }
0x24: {  	s3 =	sadd.s32 $0x88, s3;
	s6 =	simm.s32 @!p1 $0x1082;
	[sflag:s4] =	ssyncset.s32 $0xFFFFF086  }
0x25: {  	[simem:s6], [sflag:s4] =	dma.local [hbm:s3], $0xF7A  }
0x26: {  	[smem:$0x3F99] =	sst s1;
	(tag) =	ssettag s2;
	_ =	strace s9  }
0x27: {  	s1 =	sld [smem:$0x3FA9]  }
0x28: {  	s2 =	sld [smem:$0x3FAA]  }
0x29: {  	s4 =	sld [smem:$0x3FAC]  }
0x2a: {  	p0 =	seq.s32 s5, $0x0;
	s5 =	sld [smem:$0x3FAD]  }
0x2b: {  	s6 =	sld [smem:$0x3FAE]  }
0x2c: {  	s7 =	sld [smem:$0x3FAF]  }
0x2d: {  	s3 =	simm.s32 $0x108;
	s8 =	sld [smem:$0x3FB0]  }
0x2e: {  	s3 =	simm.s32 @!p0 $0x1082;
	s9 =	sld [smem:$0x3FB1]  }
0x2f: {  	lr =	sadd.s32 s0, s3;
	s0 =	sld [smem:$0x3FA8]  }
0x30: {  	s3 =	sld [smem:$0x3FAB]  }
0x31: {  	[smem:$0x3FB4] =	sst s10  }
0x32: {  	s10 =	sld [smem:$0x3FB2];
	_ =	sdelay $0x3  }
0x33: {  	p0 =	seq.s32 s10, $0x1;
	s10 =	sld [smem:$0x3FB4];
	_ =	sdelay $0x3  }
0x34: {  	[smem:$0x3FB4] =	sst s10  }
0x35: {  	s10 =	sld [smem:$0x3FB3];
	_ =	sdelay $0x3  }
0x36: {  	p1 =	seq.s32 s10, $0x1;
	s10 =	sld [smem:$0x3FB4];
	_ =	sdelay $0x3  }
0x37: {  	[smem:$0x3FB4] =	sst s10  }
0x38: {  	s10 =	sld [smem:$0x3FB5]  }
0x39: {  	_ = 	snop;
	(pc) =	sbr.ind lr, $3  }
0x3a: {  	_ = 	snop  }
0x3b: {  	_ = 	snop  }
0x3c: {  	p2 =	seq.s32 s10, $0x1;
	s10 =	sld [smem:$0x3FB4]  }
0x3d: {  	_ =	shalt  }
0x3e: {  	_ =	shalt  }
0x3f: {  	_ =	shalt  }
0x40: {  	_ =	shalt  }
0x41: {  	_ =	shalt  }
0x42: {  	_ =	shalt  }
0x43: {  	_ =	shalt  }
0x44: {  	_ =	shalt  }
0x45: {  	_ =	shalt  }
0x46: {  	_ =	shalt  }
0x47: {  	_ =	shalt  }
0x48: {  	_ =	shalt  }
0x49: {  	_ =	shalt  }
0x4a: {  	_ =	shalt  }
0x4b: {  	_ =	shalt  }
0x4c: {  	_ =	shalt  }
0x4d: {  	_ =	shalt  }
0x4e: {  	_ =	shalt  }
0x4f: {  	_ =	shalt  }
0x50: {  	_ =	shalt  }
0x51: {  	_ =	shalt  }
0x52: {  	_ =	shalt  }
0x53: {  	_ =	shalt  }
0x54: {  	_ =	shalt  }
0x55: {  	_ =	shalt  }
0x56: {  	_ =	shalt  }
0x57: {  	_ =	shalt  }
0x58: {  	_ =	shalt  }
0x59: {  	_ =	shalt  }
0x5a: {  	_ =	shalt  }
0x5b: {  	_ =	shalt  }
0x5c: {  	_ =	shalt  }
0x5d: {  	_ =	shalt  }
0x5e: {  	_ =	shalt  }
0x5f: {  	_ =	shalt  }
0x60: {  	_ =	shalt  }
0x61: {  	_ =	shalt  }
0x62: {  	_ =	shalt  }
0x63: {  	_ =	shalt  }
0x64: {  	_ =	shalt  }
0x65: {  	_ =	shalt  }
0x66: {  	_ =	shalt  }
0x67: {  	_ =	shalt  }
0x68: {  	_ =	shalt  }
0x69: {  	_ =	shalt  }
0x6a: {  	_ =	shalt  }
0x6b: {  	_ =	shalt  }
0x6c: {  	_ =	shalt  }
0x6d: {  	_ =	shalt  }
0x6e: {  	_ =	shalt  }
0x6f: {  	_ =	shalt  }
0x70: {  	_ =	shalt  }
0x71: {  	_ =	shalt  }
0x72: {  	_ =	shalt  }
0x73: {  	_ =	shalt  }
0x74: {  	_ =	shalt  }
0x75: {  	_ =	shalt  }
0x76: {  	_ =	shalt  }
0x77: {  	_ =	shalt  }
0x78: {  	_ =	shalt  }
0x79: {  	_ =	shalt  }
0x7a: {  	_ =	shalt  }
0x7b: {  	_ =	shalt  }
0x7c: {  	_ =	shalt  }
0x7d: {  	_ =	shalt  }
0x7e: {  	_ =	shalt  }
0x7f: {  	_ =	shalt  }
0x80: {  	_ =	shalt  }
0x81: {  	_ =	shalt  }
0x82: {  	_ =	shalt  }
0x83: {  	_ =	shalt  }
0x84: {  	_ =	shalt  }
0x85: {  	_ =	shalt  }
0x86: {  	_ =	shalt  }
0x87: {  	_ =	shalt  }
.Lfunc_end0:
.L_simem_size_0:
called_computation_lowered:
.L_overlay_start_0:
0x88: {  	s2 =	sld [smem:$0x3FD9]  }
0x89: {  	s3 =	sld [smem:$0x3FFE];
	_ =	sdelay $0x1  }
0x8a: {  	s1 =	srdreg.scid  }
0x8b: {  	s0 =	sand.u32 $0x1, s1  }
0x8c: {  	s17 =	sshll.u32 s0, $0xA;
	s2 =	sadd.s32 s3, s2  }
0x8d: {  	s2 =	sadd.s32 s2, s17  }
0x8e: {  	[smem:$0x3FC0] =	sst s2  }
0x8f: {  	_ = 	snop  }
0x90: {  	s2 =	sld [smem:$0x3FD0];
	(tm) =	ssettm $0x1  }
0x91: {  	s18 =	sld [smem:$0x3FFB];
	_ =	sdelay $0x3  }
0x92: {  	_ =	strace s18  }
0x93: {  	s3 =	sld [smem:$0x3FFC];
	_ =	sdelay $0x3  }
0x94: {  	_ =	strace s3  }
0x95: {  	s3 =	sld [smem:$0x3FFD];
	_ =	sdelay $0x3  }
0x96: {  	_ =	strace s3  }
0x97: {  	_ =	strace $0x8FFFFFFF  }
0x98: {  	s19 =	sld [smem:$0x3FDB];
	_ =	sdelay $0x1  }
0x99: {  	s4 =	simm.s32 $_scs_section_size  }
0x9a: {  	s5 =	simm.s32 $_size__tile_overlayer_lowered;
	s6 =	simm.s32 $_tile_overlayer_lowered  }
0x9b: {  	s22 =	simm.s32 $0x1BFF;
	s21 =	sshll.u32 s6, $0x1;
	s3 =	sadd.s32 s4, s19  }
0x9c: {  	s7 =	simm.s32 $0x0;
	s20 =	sshll.u32 s5, $0x1;
	s5 =	sadd.s32 s21, s3  }
0x9d: {  	[timem:s7], [sflag:s22] =	dma.local [hbm:s5], s20  }
0x9e: {  	_ =	swait.ge [sflag:s22], s20  }
0x9f: {  	s4 =	ssub.s32 $0x0, s20;
	[sflag:s22] =	ssyncset.done $0x0  }
0xa0: {  	[sflag:s22] =	ssyncadd.s32 s4;
	_ =	sdelay $0x1  }
0xa1: {  	s23 =	simm.s32 $0x1B8B  }
0xa2: {  	_ =	swait.ge [sflag:s23], $0x1  }
0xa3: {  	[sflag:s23] =	ssyncset.done $0x0  }
0xa4: {  	s25 =	simm.s32 $0x1B8E;
	s24 =	sld [smem:$0x3FFE];
	[sflag:s23] =	ssyncadd.s32 $0xFFFFFFFF  }
0xa5: {  	s26 =	simm.s32 $execute0_lowered;
	[smem:$0x3FD2] =	sst s25  }
0xa6: {  	s5 =	sshll.u32 s26, $0x1;
	_ =	strace $0x80000046;
	[dreg:$0x1] =	wrdreg $0xFFFFFFFF  }
0xa7: {  	s28 =	simm.s32 $_size_execute0_lowered;
	s3 =	sadd.s32 s3, s5;
	[dreg:$0x0] =	wrdreg $0x0  }
0xa8: {  	s5 =	sshll.u32 s28, $0x1;
	[dreg:$0x2] =	wrdreg s3  }
0xa9: {  	[dreg:$0x3] =	wrdreg s5  }
0xaa: {  	[dreg:$0x4] =	wrdreg $0xC0  }
0xab: {  	_ =	task [dreg:s7], $0x5FFFF  }
0xac: {  	[dreg:$0x1] =	wrdreg $0xFFFFFFFF  }
0xad: {  	[dreg:$0x0] =	wrdreg $0x60  }
0xae: {  	[dreg:$0x2] =	wrdreg s24  }
0xaf: {  	[dreg:$0x3] =	wrdreg s2  }
0xb0: {  	[dreg:$0x4] =	wrdreg $0x10C400  }
0xb1: {  	[dreg:$0x5] =	wrdreg $0x1D3E00  }
0xb2: {  	[dreg:$0x6] =	wrdreg $0x9  }
0xb3: {  	_ =	task.clear_ibuf [dreg:s7], $0x7FFFF;
	_ =	strace $0x90000046  }
0xb4: {  	s29 =	simm.s32 $0x9;
	_ =	strace $0x80000048  }
0xb5: {  	_ =	swait.ge [sflag:s29], $0x1  }
0xb6: {  	[sflag:s29] =	ssyncadd.s32 $0xFFFFFFFF  }
0xb7: {  	_ =	strace $0x90000048  }
0xb8: {  	_ =	sfence  }
0xb9: {  	s30 =	sld [smem:$0x0];
	_ =	sdelay $0x2  }
0xba: {  	s31 =	sshll.u32 s1, $0xD;
	s1 =	sshrl.u32 s1, $0x2  }
0xbb: {  	s3 =	sand.u32 $0x4000, s31;
	s1 =	sadd.s32 s1, s30  }
0xbc: {  	s0 =	sor.u32 s3, s0;
	s1 =	sshll.u32 s1, $0x11  }
0xbd: {  	s0 =	sor.u32 s1, s0  }
0xbe: {  	s0 =	sadd.s32 $0x8F2B, s0  }
0xbf: {  	[sflag:s0] =	ssyncadd.remote.s32 $0x1  }
0xc0: {  	_ =	sfence.sel $0xFFFF  }
0xc1: {  	[dreg:$0x0] =	wrdreg $0xFFFFFFFF;
	(pc) =	sbr.abs _section_cstart, $3  }
0xc2: {  	[dreg:$0x1] =	wrdreg $0xFFFFFFFF  }
0xc3: {  	_ =	task.clear_ibuf [dreg:s7], $0x2FFFF;
	_ =	strace $0x9FFFFFFF  }
0xc4: {  	(tm) =	ssettm $0x7FFFFFFF  }
0xc5: {  	_ =	shalt  }
tec
execute0_lowered:
.L_overlay_start_1:
0x0: {  	(tag) =	ssettag $0x1  }
0x1: {  	s0 =	rddreg [dreg:$0x0]  }
0x2: {  	s1 =	rddreg [dreg:$0x1]  }
0x3: {  	s2 =	rddreg [dreg:$0x2]  }
0x4: {  	s3 =	rddreg [dreg:$0x3]  }
0x5: {  	s14 =	stileid.u32;
	s5 =	srdreg.scid;
	s6 =	simm.s32 $0x0  }
0x6: {  	s16 =	simm.s32 $0xBE00;
	s17 =	simm.s32 $0x3;
	s4 =	smul.u32 $0x4F00, s14  }
0x7: {  	s18 =	simm.s32 $0x4;
	s19 =	simm.s32 $0x40;
	s9 =	smul.u32 $0x9C80, s14  }
0x8: {  	s20 =	simm.s32 $0x9E00;
	s21 =	simm.s32 $0xAE00;
	s13 =	smul.u32 $0x2720, s14  }
0x9: {  	s22 =	simm.s32 $0x1;
	s15 =	sand.u32 $0x1, s5;
	s26 =	smul.u32 $0x27200, s14  }
0xa: {  	[smem:$0x7FF] =	sst s6;
	s5 =	sadd.s32 $0x2000, s0;
	s24 =	smul.u32 $0x9C800, s15  }
0xb: {  	s14 =	simm.s32 $0x5;
	_ =	strace $0x80000047;
	s8 =	smul.u32 $0x4F000, s15  }
0xc: {  	s10 =	ssub.s32 $0x2, s15;
	p0 =	sne.s32 s15, $0x0;
	s7 =	sshrl.u32 s4, $0x3  }
0xd: {  	s25 =	sshrl.u32 s13, $0x3;
	s12 =	sshrl.u32 s10, $0x1;
	s30 =	sshrl.u32 s26, $0x2  }
0xe: {  	s31 =	sshrl.u32 s9, $0x2;
	s6 =	sadd.s32 s9, s24;
	s7 =	sadd.s32 s7, s0  }
0xf: {  	s4 =	sadd.s32 s4, s8;
	s28 =	ssub.s32 s10, s12;
	s8 =	sadd.s32 s9, s2  }
0x10: {  	s10 =	sadd.s32 s31, s3;
	s24 =	simm.s32 $0x0;
	s6 =	sshrl.u32 s6, $0x3  }
0x11: {  	s4 =	sshrl.u32 s4, $0x3;
	s29 =	sadd.s32 $0x29200, s7;
	s11 =	sadd.s32 s6, s0  }
0x12: {  	s0 =	sadd.s32 s25, s0;
	s1 =	sadd.s32 s1, s4;
	[dreg:$0x6] =	wrdreg s29  }
0x13: {  	[dreg:$0x5] =	wrdreg s1;
	s1 =	sadd.s32 s30, s2;
	s11 =	sadd.s32 $0x38000, s11  }
0x14: {  	s12 =	sadd.s32 $0x33000, s0;
	s0 =	sadd.s32 s13, s3;
	s1 =	sadd.s32 $0x4E40, s1  }
0x15: {  	v0 =	vimm.f32 $0.0e+00;
	v1 =	vimm.f32 $1.000000000e+00;
	s13 =	smax.u32 s28, $0x1;
	s23 =	sshrl.u32 @!p0 s0, $0x3;
	[dreg:$0x7] =	wrdreg s1  }
.LBB2_1:
0x16: {  	s0 =	simm.s32 $0x0;
	s1 =	rddreg [dreg:$0x5]  }
0x17: {  	[tilespmem:s0], [sflag:$0x5] =	stream.linear.gather [hbm4b:s1+s0], $0x4F00, $0x38;
	[tilespmem:$0x1FB00] =	vst v63  }
0x18: {  	_ =	swait.ge [sflag:s14], $0x4F00  }
0x19: {  	[sflag:s14] =	ssyncset.done $0x0  }
0x1a: {  	s4 =	simm.s32 $0x4F00;
	s31 =	rddreg [dreg:$0x6];
	[sflag:s14] =	ssyncadd.s32 $0xFFFFB100  }
0x1b: {  	[tilespmem:s4], [sflag:$0x5] =	stream.linear.gather [hbm4b:s31+s0], $0x4F00, $0x38;
	[tilespmem:$0x1FB00] =	vst v63  }
0x1c: {  	_ =	swait.ge [sflag:s14], $0x4F00  }
0x1d: {  	[sflag:s14] =	ssyncset.done $0x0  }
0x1e: {  	s1 =	simm.s32 $0x100;
	s0 =	simm.s32 $0x0;
	[sflag:s14] =	ssyncadd.s32 $0xFFFFB100  }
.LBB2_2:
0x1f: {  	p1 =	sne.s32 s1, $0x13800;
	[tilespmem:s0+$0xBE30] =	vst v0;
	s4 =	smov.u32 s1;
	s1 =	sadd.s32 $0x100, s1  }
.Ltmp0:
0x20: {  	[tilespmem:s0+$0xBE20] =	vst v0;
	(pc) =	sbr.rel @p1 .LBB2_2-.Ltmp0, $3  }
0x21: {  	[tilespmem:s0+$0xBE00] =	vst v0  }
0x22: {  	[tilespmem:s0+$0xBE10] =	vst v0;
	_ =	sdelay $0x1  }
0x23: {  	s0 =	sshra.s32 s4, $0x2  }
0x24: {  	[tilespmem:s0+$0xBE30] =	vst v0  }
0x25: {  	[tilespmem:s0+$0xBE20] =	vst v0  }
0x26: {  	[tilespmem:s0+$0xBE00] =	vst v0  }
0x27: {  	[tilespmem:s0+$0xBE10] =	vst v0  }
0x28: {  	[spmem:s8] =	stream.linear.scatter [tilespmem:s16], [sflag:$0x5], $0x4E40, $0x38;
	[tilespmem:$0x1FB00] =	vst v63  }
0x29: {  	_ =	swait.ge [sflag:s14], $0x4E40  }
0x2a: {  	[sflag:s14] =	ssyncset.done $0x0  }
0x2b: {  	s31 =	rddreg [dreg:$0x7];
	[sflag:s14] =	ssyncadd.s32 $0xFFFFB1C0  }
0x2c: {  	[spmem:s31] =	stream.linear.scatter [tilespmem:s16], [sflag:$0x5], $0x4E40, $0x38;
	[tilespmem:$0x1FB00] =	vst v63  }
0x2d: {  	_ =	swait.ge [sflag:s14], $0x4E40  }
0x2e: {  	[sflag:s14] =	ssyncset.done $0x0  }
0x2f: {  	s0 =	simm.s32 $0x40;
	s1 =	simm.s32 $0x0;
	[sflag:s14] =	ssyncadd.s32 $0xFFFFB1C0  }
.LBB2_4:
0x30: {  	p1 =	sne.s32 s0, $0xFC0;
	[tilespmem:s1+$0x1A8C0] =	vst v1;
	s1 =	smov.u32 s0;
	s0 =	sadd.s32 $0x40, s0  }
.Ltmp1:
0x31: {  	(pc) =	sbr.rel @p1 .LBB2_4-.Ltmp1, $2  }
0x32: {  	_ =	sdelay $0x2  }
0x33: {  	s1 =	sshra.s32 s1, $0x2  }
0x34: {  	[tilespmem:s1+$0x1A8C0] =	vst v1;
	s0 =	simm.s32 $0x40;
	s1 =	simm.s32 $0x0  }
.LBB2_6:
0x35: {  	p1 =	sne.s32 s0, $0x9C40;
	[tilespmem:s1+$0x1ACC0] =	vst v0;
	s1 =	smov.u32 s0;
	s0 =	sadd.s32 $0x40, s0  }
.Ltmp2:
0x36: {  	(pc) =	sbr.rel @p1 .LBB2_6-.Ltmp2, $2  }
0x37: {  	_ =	sdelay $0x2  }
0x38: {  	s1 =	sshra.s32 s1, $0x2  }
0x39: {  	[tilespmem:s1+$0x1ACC0] =	vst v0;
	s25 =	simm.s32 @p0 $0x40  }
0x3a: {  	s0 =	simm.s32 @p0 $0x0;
	s1 =	simm.s32 @p0 $0x9E00;
	[bflag:$0x0] =	sbarrier.arrive @p0 $0xFFFF  }
0x3b: {  	[tilespmem:s1], [sflag:$0x1] =	stream.indirect.gather @p0 [hbm4b:s5+s25], $0x40, s0, s25, $0xb8;
	[tilespmem:$0x1FB00] =	vst v63  }
0x3c: {  	s26 =	simm.s32 @p0 $0xAE00;
	s0 =	simm.s32 @p0 $0x1  }
0x3d: {  	[tilespmem:s26], [sflag:$0x2] =	stream.indirect.gather @p0 [hbm4b:s5+s25], $0x40, s25, s25, $0xb8;
	[tilespmem:$0x1FB00] =	vst v63  }
0x3e: {  	_ =	swait.ge @p0 [sflag:s0], $0x1000  }
0x3f: {  	[sflag:s0] =	ssyncset.done @p0 $0x0  }
0x40: {  	s28 =	simm.s32 @p0 $0x2;
	[sflag:s0] =	ssyncadd.s32 @p0 $0xFFFFF000;
	s0 =	simm.s32 @p0 $0x4F00  }
0x41: {  	[spmem:s2] =	stream.indirect.scatter.add.f32 @p0 [tilespmem:s1], [sflag:$0x3], $0x40, s0, s25, $0xb8;
	[tilespmem:$0x1FB00] =	vst v63  }
0x42: {  	_ =	swait.ge @p0 [sflag:s28], $0x1000  }
0x43: {  	[sflag:s28] =	ssyncset.done @p0 $0x0  }
0x44: {  	s0 =	simm.s32 @p0 $0x4F40;
	[sflag:s28] =	ssyncadd.s32 @p0 $0xFFFFF000  }
0x45: {  	[spmem:s2] =	stream.indirect.scatter.add.f32 @p0 [tilespmem:s26], [sflag:$0x4], $0x40, s0, s25, $0xb8;
	[tilespmem:$0x1FB00] =	vst v63  }
0x46: {  	s29 =	simm.s32 @!p0 $0x5;
	s0 =	simm.s32 @!p0 $0x1ACC0  }
0x47: {  	[spmem:s10] =	stream.linear.scatter @!p0 [tilespmem:s0], [sflag:$0x5], $0x2720, $0x38;
	[tilespmem:$0x1FB00] =	vst v63  }
0x48: {  	_ =	swait.ge @!p0 [sflag:s29], $0x2720  }
0x49: {  	[sflag:s29] =	ssyncset.done @!p0 $0x0  }
0x4a: {  	s30 =	simm.s32 @!p0 $0x40;
	[sflag:s29] =	ssyncadd.s32 @!p0 $0xFFFFD8E0  }
0x4b: {  	s1 =	simm.s32 @!p0 $0x9E00;
	s0 =	simm.s32 @!p0 $0x0;
	[bflag:$0x0] =	sbarrier.arrive @!p0 $0xFFFF  }
0x4c: {  	[tilespmem:s1], [sflag:$0x1] =	stream.indirect.gather @!p0 [hbm4b:s5+s30], $0x40, s0, s30, $0xb8;
	[tilespmem:$0x1FB00] =	vst v63  }
0x4d: {  	s31 =	simm.s32 @!p0 $0xAE00;
	s0 =	simm.s32 @!p0 $0x1  }
0x4e: {  	[tilespmem:s31], [sflag:$0x2] =	stream.indirect.gather @!p0 [hbm4b:s5+s30], $0x40, s30, s30, $0xb8;
	[tilespmem:$0x1FB00] =	vst v63  }
0x4f: {  	_ =	swait.ge @!p0 [sflag:s0], $0x1000  }
0x50: {  	[sflag:s0] =	ssyncset.done @!p0 $0x0  }
0x51: {  	s4 =	simm.s32 @!p0 $0x4F00;
	[sflag:s0] =	ssyncadd.s32 @!p0 $0xFFFFF000  }
0x52: {  	[spmem:s2] =	stream.indirect.scatter.add.f32 @!p0 [tilespmem:s1], [sflag:$0x3], $0x40, s4, s30, $0xb8;
	[tilespmem:$0x1FB00] =	vst v63  }
0x53: {  	s15 =	simm.s32 @!p0 $0x6;
	s0 =	simm.s32 @!p0 $0x1A8C0  }
0x54: {  	[spmem:s3] =	stream.indirect.scatter.add.f32 @!p0 [tilespmem:s0], [sflag:$0x6], $0x10, s4, s30, $0xb8;
	[tilespmem:$0x1FB00] =	vst v63  }
0x55: {  	_ =	swait.ge @!p0 [sflag:s15], $0x400  }
0x56: {  	[sflag:s15] =	ssyncset.done @!p0 $0x0  }
0x57: {  	s1 =	simm.s32 @!p0 $0x2;
	[sflag:s15] =	ssyncadd.s32 @!p0 $0xFFFFFC00  }
0x58: {  	_ =	swait.ge @!p0 [sflag:s1], $0x1000  }
0x59: {  	[sflag:s1] =	ssyncset.done @!p0 $0x0  }
0x5a: {  	s4 =	simm.s32 @!p0 $0x4F40;
	[sflag:s1] =	ssyncadd.s32 @!p0 $0xFFFFF000  }
0x5b: {  	[spmem:s2] =	stream.indirect.scatter.add.f32 @!p0 [tilespmem:s31], [sflag:$0x4], $0x40, s4, s30, $0xb8;
	[tilespmem:$0x1FB00] =	vst v63  }
0x5c: {  	_ = 	snop  }
0x5d: {  	[spmem:s3] =	stream.indirect.scatter.add.f32 @!p0 [tilespmem:s0], [sflag:$0x5], $0x10, s4, s30, $0xb8;
	[tilespmem:$0x1FB00] =	vst v63  }
0x5e: {  	_ =	swait.ge @!p0 [sflag:s29], $0x400  }
0x5f: {  	[sflag:s29] =	ssyncset.done @!p0 $0x0  }
0x60: {  	[sflag:s29] =	ssyncadd.s32 @!p0 $0xFFFFFC00  }
0x61: {  	_ =	swait.ge [sflag:s17], $0x1000  }
0x62: {  	[sflag:s17] =	ssyncset.done $0x0  }
0x63: {  	[sflag:s17] =	ssyncadd.s32 $0xFFFFF000  }
0x64: {  	_ =	swait.ge [sflag:s18], $0x1000  }
0x65: {  	[sflag:s18] =	ssyncset.done $0x0  }
0x66: {  	s7 =	simm.s32 $0x80;
	[sflag:s18] =	ssyncadd.s32 $0xFFFFF000  }
0x67: {  	[tilespmem:s20], [sflag:$0x1] =	stream.indirect.gather [hbm4b:s5+s19], $0x40, s7, s19, $0xb8;
	[tilespmem:$0x1FB00] =	vst v63  }
0x68: {  	s9 =	simm.s32 $0xC0  }
0x69: {  	[tilespmem:s21], [sflag:$0x2] =	stream.indirect.gather [hbm4b:s5+s19], $0x40, s9, s19, $0xb8;
	[tilespmem:$0x1FB00] =	vst v63  }
0x6a: {  	_ =	swait.ge [sflag:s22], $0x1000  }
0x6b: {  	[sflag:s22] =	ssyncset.done $0x0  }
0x6c: {  	s4 =	simm.s32 $0x4F80;
	[sflag:s22] =	ssyncadd.s32 $0xFFFFF000  }
0x6d: {  	[spmem:s2] =	stream.indirect.scatter.add.f32 [tilespmem:s20], [sflag:$0x3], $0x40, s4, s19, $0xb8;
	[tilespmem:$0x1FB00] =	vst v63  }
0x6e: {  	_ =	swait.ge @p0 [sflag:s28], $0x1000  }
0x6f: {  	[sflag:s28] =	ssyncset.done @p0 $0x0  }
0x70: {  	s6 =	simm.s32 @p0 $0x4FC0;
	[sflag:s28] =	ssyncadd.s32 @p0 $0xFFFFF000  }
0x71: {  	[spmem:s2] =	stream.indirect.scatter.add.f32 @p0 [tilespmem:s26], [sflag:$0x4], $0x40, s6, s25, $0xb8;
	[tilespmem:$0x1FB00] =	vst v63  }
0x72: {  	_ = 	snop  }
0x73: {  	[spmem:s3] =	stream.indirect.scatter.add.f32 @!p0 [tilespmem:s0], [sflag:$0x6], $0x10, s4, s30, $0xb8;
	[tilespmem:$0x1FB00] =	vst v63  }
0x74: {  	_ =	swait.ge @!p0 [sflag:s15], $0x400  }
0x75: {  	[sflag:s15] =	ssyncset.done @!p0 $0x0  }
0x76: {  	[sflag:s15] =	ssyncadd.s32 @!p0 $0xFFFFFC00  }
0x77: {  	_ =	swait.ge @!p0 [sflag:s1], $0x1000  }
0x78: {  	[sflag:s1] =	ssyncset.done @!p0 $0x0  }
0x79: {  	s4 =	simm.s32 @!p0 $0x4FC0;
	[sflag:s1] =	ssyncadd.s32 @!p0 $0xFFFFF000  }
0x7a: {  	[spmem:s2] =	stream.indirect.scatter.add.f32 @!p0 [tilespmem:s31], [sflag:$0x4], $0x40, s4, s30, $0xb8;
	[tilespmem:$0x1FB00] =	vst v63  }
0x7b: {  	_ = 	snop  }
0x7c: {  	[spmem:s3] =	stream.indirect.scatter.add.f32 @!p0 [tilespmem:s0], [sflag:$0x5], $0x10, s4, s30, $0xb8;
	[tilespmem:$0x1FB00] =	vst v63  }
0x7d: {  	_ =	swait.ge @!p0 [sflag:s29], $0x400  }
0x7e: {  	s4 =	simm.s32 $0xFFFEC800;
	[sflag:s29] =	ssyncset.done @!p0 $0x0  }
.LBB2_8:
0x7f: {  	[sflag:s29] =	ssyncadd.s32 @!p0 $0xFFFFFC00;
	s6 =	smov.u32 s4;
	s4 =	sadd.s32 $0x200, s4  }
0x80: {  	p1 =	sne.s32 s4, $0x0  }
0x81: {  	_ =	swait.ge [sflag:s17], $0x1000  }
0x82: {  	[sflag:s17] =	ssyncset.done $0x0  }
0x83: {  	[sflag:s17] =	ssyncadd.s32 $0xFFFFF000  }
0x84: {  	_ =	swait.ge [sflag:s18], $0x1000  }
0x85: {  	s7 =	sshra.s32 s6, $0x2;
	[sflag:s18] =	ssyncset.done $0x0  }
0x86: {  	s9 =	sadd.s32 $0x4F00, s7;
	[sflag:s18] =	ssyncadd.s32 $0xFFFFF000  }
0x87: {  	[tilespmem:s20], [sflag:$0x1] =	stream.indirect.gather [hbm4b:s5+s19], $0x40, s9, s19, $0xb8;
	[tilespmem:$0x1FB00] =	vst v63  }
0x88: {  	s9 =	sadd.s32 $0x4F40, s7  }
0x89: {  	[tilespmem:s21], [sflag:$0x2] =	stream.indirect.gather [hbm4b:s5+s19], $0x40, s9, s19, $0xb8;
	[tilespmem:$0x1FB00] =	vst v63  }
0x8a: {  	_ =	swait.ge [sflag:s22], $0x1000  }
0x8b: {  	[sflag:s22] =	ssyncset.done $0x0  }
0x8c: {  	s7 =	sadd.s32 $0x9E00, s7;
	[sflag:s22] =	ssyncadd.s32 $0xFFFFF000  }
0x8d: {  	[spmem:s2] =	stream.indirect.scatter.add.f32 [tilespmem:s20], [sflag:$0x3], $0x40, s7, s19, $0xb8;
	[tilespmem:$0x1FB00] =	vst v63  }
0x8e: {  	_ =	swait.ge @p0 [sflag:s28], $0x1000  }
0x8f: {  	s9 =	sshra.s32 @p0 s6, $0x2;
	[sflag:s28] =	ssyncset.done @p0 $0x0  }
0x90: {  	s9 =	sadd.s32 @p0 $0x9E40, s9;
	[sflag:s28] =	ssyncadd.s32 @p0 $0xFFFFF000  }
0x91: {  	[spmem:s2] =	stream.indirect.scatter.add.f32 @p0 [tilespmem:s26], [sflag:$0x4], $0x40, s9, s25, $0xb8;
	[tilespmem:$0x1FB00] =	vst v63  }
0x92: {  	_ = 	snop  }
0x93: {  	[spmem:s3] =	stream.indirect.scatter.add.f32 @!p0 [tilespmem:s0], [sflag:$0x6], $0x10, s7, s30, $0xb8;
	[tilespmem:$0x1FB00] =	vst v63  }
0x94: {  	_ =	swait.ge @!p0 [sflag:s15], $0x400  }
0x95: {  	[sflag:s15] =	ssyncset.done @!p0 $0x0  }
0x96: {  	[sflag:s15] =	ssyncadd.s32 @!p0 $0xFFFFFC00  }
0x97: {  	_ =	swait.ge @!p0 [sflag:s1], $0x1000  }
0x98: {  	s6 =	sshra.s32 @!p0 s6, $0x2;
	[sflag:s1] =	ssyncset.done @!p0 $0x0  }
0x99: {  	s6 =	sadd.s32 @!p0 $0x9E40, s6;
	[sflag:s1] =	ssyncadd.s32 @!p0 $0xFFFFF000  }
0x9a: {  	[spmem:s2] =	stream.indirect.scatter.add.f32 @!p0 [tilespmem:s31], [sflag:$0x4], $0x40, s6, s30, $0xb8;
	[tilespmem:$0x1FB00] =	vst v63  }
.Ltmp3:
0x9b: {  	_ = 	snop;
	(pc) =	sbr.rel @p1 .LBB2_8-.Ltmp3, $4  }
0x9c: {  	_ = 	snop  }
0x9d: {  	[spmem:s3] =	stream.indirect.scatter.add.f32 @!p0 [tilespmem:s0], [sflag:$0x5], $0x10, s6, s30, $0xb8;
	[tilespmem:$0x1FB00] =	vst v63  }
0x9e: {  	_ =	swait.ge @!p0 [sflag:s29], $0x400  }
0x9f: {  	[sflag:s29] =	ssyncset.done @!p0 $0x0  }
0xa0: {  	[sflag:s29] =	ssyncadd.s32 @!p0 $0xFFFFFC00  }
0xa1: {  	_ =	swait.ge [sflag:s17], $0x1000  }
0xa2: {  	[sflag:s17] =	ssyncset.done $0x0  }
0xa3: {  	[sflag:s17] =	ssyncadd.s32 $0xFFFFF000  }
0xa4: {  	_ =	swait.ge [sflag:s18], $0x1000  }
0xa5: {  	s0 =	stileid.u32;
	[sflag:s18] =	ssyncset.done $0x0  }
0xa6: {  	s0 =	sshll.u32 s0, $0x6;
	[sflag:s18] =	ssyncadd.s32 $0xFFFFF000  }
0xa7: {  	s1 =	sshrl.u32 s8, $0x3;
	s0 =	sor.u32 $0x1C05, s0;
	[bflag:$0x0] =	sbarrier.arrive $0xFFFF  }
0xa8: {  	[hbm:s11], [sflag:s0] =	dma.local [spmem:s1], $0x1390  }
0xa9: {  	_ =	swait.ge [sflag:s14], $0x1390  }
0xaa: {  	s24 =	sadd.s32 $0x1, s24;
	[sflag:s14] =	ssyncset.done $0x0  }
0xab: {  	p1 =	sne.s32 s24, s13;
	[sflag:s14] =	ssyncadd.s32 $0xFFFFEC70  }
0xac: {  	[hbm:s12], [sflag:s0] =	dma.local @!p0 [spmem:s23], $0x4E4  }
.Ltmp4:
0xad: {  	_ = 	snop;
	(pc) =	sbr.rel @p1 .LBB2_1-.Ltmp4, $4  }
0xae: {  	s0 =	simm.s32 @!p0 $0x5  }
0xaf: {  	_ =	swait.ge @!p0 [sflag:s0], $0x4E4  }
0xb0: {  	[sflag:s0] =	ssyncset.done @!p0 $0x0  }
0xb1: {  	[sflag:s0] =	ssyncadd.s32 @!p0 $0xFFFFFB1C  }
0xb2: {  	_ =	sfence.sel $0x180000  }
0xb3: {  	[bflag:$0x0] =	sbarrier.arrive $0xFFFF  }
0xb4: {  	_ =	strace $0x90000047  }
0xb5: {  	s0 =	stileid.u32;
	[bflag:$0x2] =	sbarrier.arrive $0xFFFF  }
0xb6: {  	p0 =	sne.s32 s0, $0x0;
	s0 =	rddreg [dreg:$0x4]  }
0xb7: {  	s0 =	sadd.s32 @!p0 $0x100000, s0  }
0xb8: {  	[sflag:s0] =	ssyncadd.tile.s32 @!p0 $0x1;
	_ =	shalt  }
.Lfunc_end2:
_tile_overlayer_lowered:
.L_overlay_start_2:
0xb9: {  	(tag) =	ssettag $0x2  }
0xba: {  	s0 =	rddreg [dreg:$0x0];
	s2 =	stileid.u32  }
0xbb: {  	s1 =	rddreg [dreg:$0x1];
	p0 =	sne.s32 s2, $0x0  }
0xbc: {  	s3 =	rddreg [dreg:$0x2];
	[bflag:$0x3] =	sbarrier.arrive $0xFFFF;
	s2 =	simm.s32 @!p0 $0x1C05  }
0xbd: {  	[timem:s3], [sflag:s2] =	dma.local @!p0 [hbm:s0], s1  }
0xbe: {  	s0 =	simm.s32 @!p0 $0x5  }
0xbf: {  	_ =	swait.ge @!p0 [sflag:s0], s1  }
0xc0: {  	s1 =	ssub.s32 @!p0 $0x0, s1;
	[sflag:s0] =	ssyncset.done @!p0 $0x0  }
0xc1: {  	[sflag:s0] =	ssyncadd.s32 @!p0 s1  }
0xc2: {  	[bflag:$0x3] =	sbarrier.arrive $0xFFFF  }
0xc3: {  	_ =	shalt  }

// kernel: kernel.9.cloned.1.call-start
scs
__scs_entry_jumppad:
0x0: {  	(pc) =	sbr.rel $0x88, $3  }
0x1: {  	(tag) =	ssettag $0x0;
	lr =	simm.s32 $0x1  }
0x2: {  	[smem:$0x3F99] =	sst lr;
	_ =	strace $0xD0000000  }
0x3: {  	_ = 	snop  }
0x4: {  	_ = 	snop  }
0x5: {  	_ = 	snop  }
0x6: {  	_ = 	snop  }
0x7: {  	_ = 	snop  }
__scs_overlays_trampoline_lowered:
0x8: {  	[smem:$0x3FA8] =	sst s0  }
0x9: {  	[smem:$0x3FA9] =	sst s1  }
0xa: {  	[smem:$0x3FAA] =	sst s2  }
0xb: {  	[smem:$0x3FAB] =	sst s3  }
0xc: {  	[smem:$0x3FAC] =	sst s4  }
0xd: {  	[smem:$0x3FAD] =	sst s5  }
0xe: {  	[smem:$0x3FAE] =	sst s6  }
0xf: {  	[smem:$0x3FAF] =	sst s7  }
0x10: {  	[smem:$0x3FB0] =	sst s8  }
0x11: {  	[smem:$0x3FB1] =	sst s9;
	s0 =	simm.s32 @!p0 $0x0  }
0x12: {  	s1 =	sld [smem:$0x3F97];
	s0 =	simm.s32 @p0 $0x1  }
0x13: {  	[smem:$0x3FB2] =	sst s0;
	s0 =	simm.s32 @!p1 $0x0  }
0x14: {  	s2 =	sld [smem:$0x3F96];
	s0 =	simm.s32 @p1 $0x1  }
0x15: {  	[smem:$0x3FB3] =	sst s0;
	s0 =	simm.s32 @!p2 $0x0  }
0x16: {  	s3 =	sld [smem:$0x3FDB];
	s0 =	simm.s32 @p2 $0x1  }
0x17: {  	s4 =	simm.s32 $0x1BF5;
	[smem:$0x3FB5] =	sst s0  }
0x18: {  	s0 =	sld [smem:$0x3F98];
	_ =	swait.ge [sflag:s4], $0x0  }
0x19: {  	s7 =	sld [smem:$0x3F99]  }
0x1a: {  	s8 =	sadd.s32 $0xFFFFE003, lr  }
0x1b: {  	s9 =	sadd.s32 $0xFFFFFEF7, lr;
	s5 =	simm.s32 $0xFFFFFFFF;
	p2 =	slt.u32 s8, $0xFFFFF086  }
0x1c: {  	p1 =	slt.u32 s9, $0xF7A;
	s5 =	simm.s32 @!p2 $0x0  }
0x1d: {  	s5 =	simm.s32 @p1 $0x1;
	p0 =	seq.s32 s7, s2  }
0x1e: {  	s7 =	smul.u32 @!p0 $0xF7A, s2;
	p2 =	seq.s32 @!p0 s5, $0x0  }
0x1f: {  	s9 =	smul.u32 $0xF7A, s1;
	s8 =	simm.s32 @!p0 $0x1BF5;
	p2 =	por !p2, p0  }
0x20: {  	[sflag:s8] =	ssyncset.s32 @!p0 $0xFFFFF086;
	s6 =	sadd.s32 @!p0 s3, s7;
	s7 =	simm.s32 @!p0 $0x108  }
0x21: {  	s3 =	sadd.s32 s3, s9;
	s6 =	sadd.s32 @!p0 $0x88, s6;
	s7 =	simm.s32 @p2 $0x1082  }
0x22: {  	[simem:s7], [sflag:s8] =	dma.local @!p0 [hbm:s6], $0xF7A  }
0x23: {  	s9 =	sor.u32 $0xD0000000, s2;
	s6 =	simm.s32 $0x108;
	_ =	swait.ge @!p0 [sflag:s8], $0x0  }
0x24: {  	s3 =	sadd.s32 $0x88, s3;
	s6 =	simm.s32 @!p1 $0x1082;
	[sflag:s4] =	ssyncset.s32 $0xFFFFF086  }
0x25: {  	[simem:s6], [sflag:s4] =	dma.local [hbm:s3], $0xF7A  }
0x26: {  	[smem:$0x3F99] =	sst s1;
	(tag) =	ssettag s2;
	_ =	strace s9  }
0x27: {  	s1 =	sld [smem:$0x3FA9]  }
0x28: {  	s2 =	sld [smem:$0x3FAA]  }
0x29: {  	s4 =	sld [smem:$0x3FAC]  }
0x2a: {  	p0 =	seq.s32 s5, $0x0;
	s5 =	sld [smem:$0x3FAD]  }
0x2b: {  	s6 =	sld [smem:$0x3FAE]  }
0x2c: {  	s7 =	sld [smem:$0x3FAF]  }
0x2d: {  	s3 =	simm.s32 $0x108;
	s8 =	sld [smem:$0x3FB0]  }
0x2e: {  	s3 =	simm.s32 @!p0 $0x1082;
	s9 =	sld [smem:$0x3FB1]  }
0x2f: {  	lr =	sadd.s32 s0, s3;
	s0 =	sld [smem:$0x3FA8]  }
0x30: {  	s3 =	sld [smem:$0x3FAB]  }
0x31: {  	[smem:$0x3FB4] =	sst s10  }
0x32: {  	s10 =	sld [smem:$0x3FB2];
	_ =	sdelay $0x3  }
0x33: {  	p0 =	seq.s32 s10, $0x1;
	s10 =	sld [smem:$0x3FB4];
	_ =	sdelay $0x3  }
0x34: {  	[smem:$0x3FB4] =	sst s10  }
0x35: {  	s10 =	sld [smem:$0x3FB3];
	_ =	sdelay $0x3  }
0x36: {  	p1 =	seq.s32 s10, $0x1;
	s10 =	sld [smem:$0x3FB4];
	_ =	sdelay $0x3  }
0x37: {  	[smem:$0x3FB4] =	sst s10  }
0x38: {  	s10 =	sld [smem:$0x3FB5]  }
0x39: {  	_ = 	snop;
	(pc) =	sbr.ind lr, $3  }
0x3a: {  	_ = 	snop  }
0x3b: {  	_ = 	snop  }
0x3c: {  	p2 =	seq.s32 s10, $0x1;
	s10 =	sld [smem:$0x3FB4]  }
0x3d: {  	_ =	shalt  }
0x3e: {  	_ =	shalt  }
0x3f: {  	_ =	shalt  }
0x40: {  	_ =	shalt  }
0x41: {  	_ =	shalt  }
0x42: {  	_ =	shalt  }
0x43: {  	_ =	shalt  }
0x44: {  	_ =	shalt  }
0x45: {  	_ =	shalt  }
0x46: {  	_ =	shalt  }
0x47: {  	_ =	shalt  }
0x48: {  	_ =	shalt  }
0x49: {  	_ =	shalt  }
0x4a: {  	_ =	shalt  }
0x4b: {  	_ =	shalt  }
0x4c: {  	_ =	shalt  }
0x4d: {  	_ =	shalt  }
0x4e: {  	_ =	shalt  }
0x4f: {  	_ =	shalt  }
0x50: {  	_ =	shalt  }
0x51: {  	_ =	shalt  }
0x52: {  	_ =	shalt  }
0x53: {  	_ =	shalt  }
0x54: {  	_ =	shalt  }
0x55: {  	_ =	shalt  }
0x56: {  	_ =	shalt  }
0x57: {  	_ =	shalt  }
0x58: {  	_ =	shalt  }
0x59: {  	_ =	shalt  }
0x5a: {  	_ =	shalt  }
0x5b: {  	_ =	shalt  }
0x5c: {  	_ =	shalt  }
0x5d: {  	_ =	shalt  }
0x5e: {  	_ =	shalt  }
0x5f: {  	_ =	shalt  }
0x60: {  	_ =	shalt  }
0x61: {  	_ =	shalt  }
0x62: {  	_ =	shalt  }
0x63: {  	_ =	shalt  }
0x64: {  	_ =	shalt  }
0x65: {  	_ =	shalt  }
0x66: {  	_ =	shalt  }
0x67: {  	_ =	shalt  }
0x68: {  	_ =	shalt  }
0x69: {  	_ =	shalt  }
0x6a: {  	_ =	shalt  }
0x6b: {  	_ =	shalt  }
0x6c: {  	_ =	shalt  }
0x6d: {  	_ =	shalt  }
0x6e: {  	_ =	shalt  }
0x6f: {  	_ =	shalt  }
0x70: {  	_ =	shalt  }
0x71: {  	_ =	shalt  }
0x72: {  	_ =	shalt  }
0x73: {  	_ =	shalt  }
0x74: {  	_ =	shalt  }
0x75: {  	_ =	shalt  }
0x76: {  	_ =	shalt  }
0x77: {  	_ =	shalt  }
0x78: {  	_ =	shalt  }
0x79: {  	_ =	shalt  }
0x7a: {  	_ =	shalt  }
0x7b: {  	_ =	shalt  }
0x7c: {  	_ =	shalt  }
0x7d: {  	_ =	shalt  }
0x7e: {  	_ =	shalt  }
0x7f: {  	_ =	shalt  }
0x80: {  	_ =	shalt  }
0x81: {  	_ =	shalt  }
0x82: {  	_ =	shalt  }
0x83: {  	_ =	shalt  }
0x84: {  	_ =	shalt  }
0x85: {  	_ =	shalt  }
0x86: {  	_ =	shalt  }
0x87: {  	_ =	shalt  }
.Lfunc_end0:
.L_simem_size_0:
called_computation.1_lowered:
.L_overlay_start_0:
0x88: {  	s2 =	sld [smem:$0x3FD9]  }
0x89: {  	s3 =	sld [smem:$0x3FFE];
	_ =	sdelay $0x1  }
0x8a: {  	s1 =	srdreg.scid  }
0x8b: {  	s0 =	sand.u32 $0x1, s1  }
0x8c: {  	s17 =	sshll.u32 s0, $0xA;
	s2 =	sadd.s32 s3, s2  }
0x8d: {  	s2 =	sadd.s32 s2, s17  }
0x8e: {  	[smem:$0x3FC0] =	sst s2  }
0x8f: {  	_ = 	snop  }
0x90: {  	s2 =	sld [smem:$0x3FD0];
	(tm) =	ssettm $0x1  }
0x91: {  	s18 =	sld [smem:$0x3FFB];
	_ =	sdelay $0x3  }
0x92: {  	_ =	strace s18  }
0x93: {  	s3 =	sld [smem:$0x3FFC];
	_ =	sdelay $0x3  }
0x94: {  	_ =	strace s3  }
0x95: {  	s3 =	sld [smem:$0x3FFD];
	_ =	sdelay $0x3  }
0x96: {  	_ =	strace s3  }
0x97: {  	_ =	strace $0x8FFFFFFF  }
0x98: {  	s19 =	sld [smem:$0x3FDB];
	_ =	sdelay $0x1  }
0x99: {  	s4 =	simm.s32 $_scs_section_size  }
0x9a: {  	s5 =	simm.s32 $_size__tile_overlayer_lowered;
	s6 =	simm.s32 $_tile_overlayer_lowered  }
0x9b: {  	s22 =	simm.s32 $0x1BFF;
	s21 =	sshll.u32 s6, $0x1;
	s3 =	sadd.s32 s4, s19  }
0x9c: {  	s7 =	simm.s32 $0x0;
	s20 =	sshll.u32 s5, $0x1;
	s5 =	sadd.s32 s21, s3  }
0x9d: {  	[timem:s7], [sflag:s22] =	dma.local [hbm:s5], s20  }
0x9e: {  	_ =	swait.ge [sflag:s22], s20  }
0x9f: {  	s4 =	ssub.s32 $0x0, s20;
	[sflag:s22] =	ssyncset.done $0x0  }
0xa0: {  	[sflag:s22] =	ssyncadd.s32 s4;
	_ =	sdelay $0x1  }
0xa1: {  	s23 =	simm.s32 $0x1B8B  }
0xa2: {  	_ =	swait.ge [sflag:s23], $0x1  }
0xa3: {  	[sflag:s23] =	ssyncset.done $0x0  }
0xa4: {  	s25 =	simm.s32 $0x1B8E;
	s24 =	sld [smem:$0x3FFE];
	[sflag:s23] =	ssyncadd.s32 $0xFFFFFFFF  }
0xa5: {  	s26 =	simm.s32 $execute0_lowered;
	[smem:$0x3FD2] =	sst s25  }
0xa6: {  	s5 =	sshll.u32 s26, $0x1;
	_ =	strace $0x80000049;
	[dreg:$0x1] =	wrdreg $0xFFFFFFFF  }
0xa7: {  	s28 =	simm.s32 $_size_execute0_lowered;
	s3 =	sadd.s32 s3, s5;
	[dreg:$0x0] =	wrdreg $0x0  }
0xa8: {  	s5 =	sshll.u32 s28, $0x1;
	[dreg:$0x2] =	wrdreg s3  }
0xa9: {  	[dreg:$0x3] =	wrdreg s5  }
0xaa: {  	[dreg:$0x4] =	wrdreg $0xC0  }
0xab: {  	_ =	task [dreg:s7], $0x5FFFF  }
0xac: {  	[dreg:$0x1] =	wrdreg $0xFFFFFFFF  }
0xad: {  	[dreg:$0x0] =	wrdreg $0x60  }
0xae: {  	[dreg:$0x2] =	wrdreg s24  }
0xaf: {  	[dreg:$0x3] =	wrdreg s2  }
0xb0: {  	[dreg:$0x4] =	wrdreg $0xE5200  }
0xb1: {  	[dreg:$0x5] =	wrdreg $0x9  }
0xb2: {  	_ =	task.clear_ibuf [dreg:s7], $0x6FFFF;
	_ =	strace $0x90000049  }
0xb3: {  	s29 =	simm.s32 $0x9;
	_ =	strace $0x8000004B  }
0xb4: {  	_ =	swait.ge [sflag:s29], $0x1  }
0xb5: {  	[sflag:s29] =	ssyncadd.s32 $0xFFFFFFFF  }
0xb6: {  	_ =	strace $0x9000004B  }
0xb7: {  	_ =	sfence  }
0xb8: {  	s30 =	sld [smem:$0x0];
	_ =	sdelay $0x2  }
0xb9: {  	s31 =	sshll.u32 s1, $0xD;
	s1 =	sshrl.u32 s1, $0x2  }
0xba: {  	s3 =	sand.u32 $0x4000, s31;
	s1 =	sadd.s32 s1, s30  }
0xbb: {  	s0 =	sor.u32 s3, s0;
	s1 =	sshll.u32 s1, $0x11  }
0xbc: {  	s0 =	sor.u32 s1, s0  }
0xbd: {  	s0 =	sadd.s32 $0x8F2B, s0  }
0xbe: {  	[sflag:s0] =	ssyncadd.remote.s32 $0x1  }
0xbf: {  	_ =	sfence.sel $0xFFFF  }
0xc0: {  	[dreg:$0x0] =	wrdreg $0xFFFFFFFF;
	(pc) =	sbr.abs _section_cstart, $3  }
0xc1: {  	[dreg:$0x1] =	wrdreg $0xFFFFFFFF  }
0xc2: {  	_ =	task.clear_ibuf [dreg:s7], $0x2FFFF;
	_ =	strace $0x9FFFFFFF  }
0xc3: {  	(tm) =	ssettm $0x7FFFFFFF  }
tec
execute0_lowered:
.L_overlay_start_1:
0x0: {  	(tag) =	ssettag $0x1  }
0x1: {  	s5 =	rddreg [dreg:$0x0]  }
0x2: {  	s9 =	rddreg [dreg:$0x1]  }
0x3: {  	s1 =	srdreg.scid;
	s0 =	stileid.u32  }
0x4: {  	s2 =	rddreg [dreg:$0x2];
	s3 =	simm.s32 $0x0;
	s15 =	simm.s32 $0x9E00  }
0x5: {  	s16 =	simm.s32 $0xAE00;
	s17 =	simm.s32 $0x1;
	s18 =	simm.s32 $0x2  }
0x6: {  	s19 =	simm.s32 $0x4F80;
	s20 =	simm.s32 $0x3;
	s7 =	smul.u32 $0x4F00, s0  }
0x7: {  	s21 =	simm.s32 $0x4;
	s22 =	simm.s32 $0x0;
	s10 =	smul.u32 $0x4E40, s0  }
0x8: {  	s6 =	sand.u32 $0x1, s1;
	s1 =	rddreg [dreg:$0x3];
	s12 =	smul.u32 $0x13900, s0  }
0x9: {  	[smem:$0x7FF] =	sst s3;
	s4 =	smul.u32 $0x4F000, s6;
	s11 =	ssub.s32 $0x2, s6  }
0xa: {  	_ =	strace $0x8000004A;
	s14 =	smul.u32 $0x4E400, s6;
	s13 =	sshrl.u32 s11, $0x1  }
0xb: {  	s29 =	sshrl.u32 s12, $0x2;
	s12 =	simm.s32 $0x4F00;
	s8 =	sadd.s32 s7, s4  }
0xc: {  	s4 =	sadd.s32 $0x2000, s5;
	s7 =	sshrl.u32 s7, $0x3;
	s11 =	ssub.s32 s11, s13  }
0xd: {  	s30 =	sadd.s32 s10, s14;
	s13 =	simm.s32 $0xBE00;
	s14 =	simm.s32 $0x80  }
0xe: {  	s8 =	sshrl.u32 s8, $0x3;
	s28 =	sadd.s32 s7, s5;
	s7 =	sadd.s32 s10, s2  }
0xf: {  	s31 =	sshrl.u32 s30, $0x3;
	s10 =	smax.u32 s11, $0x1;
	s8 =	sadd.s32 s8, s5  }
0x10: {  	s11 =	simm.s32 $0x5;
	s5 =	sadd.s32 $0x5F200, s8;
	s8 =	sadd.s32 s29, s2  }
0x11: {  	v0 =	vimm.f32 $0.0e+00;
	s6 =	sadd.s32 $0x29200, s28;
	s9 =	sadd.s32 s9, s31;
	s8 =	sadd.s32 $0x2720, s8  }
.LBB2_1:
0x12: {  	[tilespmem:s3], [sflag:$0x5] =	stream.linear.gather [hbm4b:s5+s3], $0x4F00, $0x38;
	[tilespmem:$0x13360] =	vst v63  }
0x13: {  	_ =	swait.ge [sflag:s11], $0x4F00  }
0x14: {  	[sflag:s11] =	ssyncset.done $0x0  }
0x15: {  	[sflag:s11] =	ssyncadd.s32 $0xFFFFB100  }
0x16: {  	[tilespmem:s12], [sflag:$0x5] =	stream.linear.gather [hbm4b:s6+s3], $0x4F00, $0x38;
	[tilespmem:$0x13360] =	vst v63  }
0x17: {  	_ =	swait.ge [sflag:s11], $0x4F00  }
0x18: {  	[sflag:s11] =	ssyncset.done $0x0  }
0x19: {  	s23 =	simm.s32 $0x80;
	s24 =	simm.s32 $0x0;
	[sflag:s11] =	ssyncadd.s32 $0xFFFFB100  }
.LBB2_2:
0x1a: {  	p0 =	sne.s32 s23, $0x9C00;
	[tilespmem:s24+$0xBE00] =	vst v0;
	s25 =	smov.u32 s23;
	s23 =	sadd.s32 $0x80, s23  }
.Ltmp0:
0x1b: {  	[tilespmem:s24+$0xBE10] =	vst v0;
	(pc) =	sbr.rel @p0 .LBB2_2-.Ltmp0, $2  }
0x1c: {  	_ =	sdelay $0x2  }
0x1d: {  	s24 =	sshra.s32 s25, $0x2  }
0x1e: {  	[tilespmem:s24+$0xBE00] =	vst v0  }
0x1f: {  	[tilespmem:s24+$0xBE10] =	vst v0  }
0x20: {  	[spmem:s7] =	stream.linear.scatter [tilespmem:s13], [sflag:$0x5], $0x2720, $0x38;
	[tilespmem:$0x13360] =	vst v63  }
0x21: {  	_ =	swait.ge [sflag:s11], $0x2720  }
0x22: {  	[sflag:s11] =	ssyncset.done $0x0  }
0x23: {  	[sflag:s11] =	ssyncadd.s32 $0xFFFFD8E0  }
0x24: {  	[spmem:s8] =	stream.linear.scatter [tilespmem:s13], [sflag:$0x5], $0x2720, $0x38;
	[tilespmem:$0x13360] =	vst v63  }
0x25: {  	_ =	swait.ge [sflag:s11], $0x2720  }
0x26: {  	[sflag:s11] =	ssyncset.done $0x0  }
0x27: {  	[sflag:s11] =	ssyncadd.s32 $0xFFFFD8E0  }
0x28: {  	[bflag:$0x0] =	sbarrier.arrive $0xFFFF  }
0x29: {  	[tilespmem:s15], [sflag:$0x1] =	stream.indirect.gather [hbm4b:s4+s14], $0x20, s3, s14, $0xb8;
	[tilespmem:$0x13360] =	vst v63  }
0x2a: {  	_ = 	snop  }
0x2b: {  	[tilespmem:s16], [sflag:$0x2] =	stream.indirect.gather [hbm4b:s4+s14], $0x20, s14, s14, $0xb8;
	[tilespmem:$0x13360] =	vst v63  }
0x2c: {  	_ =	swait.ge [sflag:s17], $0x1000  }
0x2d: {  	[sflag:s17] =	ssyncset.done $0x0  }
0x2e: {  	[sflag:s17] =	ssyncadd.s32 $0xFFFFF000  }
0x2f: {  	[spmem:s2] =	stream.indirect.scatter.add.f32 [tilespmem:s15], [sflag:$0x3], $0x20, s12, s14, $0xb8;
	[tilespmem:$0x13360] =	vst v63  }
0x30: {  	_ =	swait.ge [sflag:s18], $0x1000  }
0x31: {  	[sflag:s18] =	ssyncset.done $0x0  }
0x32: {  	[sflag:s18] =	ssyncadd.s32 $0xFFFFF000  }
0x33: {  	[spmem:s2] =	stream.indirect.scatter.add.f32 [tilespmem:s16], [sflag:$0x4], $0x20, s19, s14, $0xb8;
	[tilespmem:$0x13360] =	vst v63  }
0x34: {  	_ =	swait.ge [sflag:s20], $0x1000  }
0x35: {  	[sflag:s20] =	ssyncset.done $0x0  }
0x36: {  	[sflag:s20] =	ssyncadd.s32 $0xFFFFF000  }
0x37: {  	_ =	swait.ge [sflag:s21], $0x1000  }
0x38: {  	[sflag:s21] =	ssyncset.done $0x0  }
0x39: {  	s23 =	simm.s32 $0x100;
	[sflag:s21] =	ssyncadd.s32 $0xFFFFF000  }
0x3a: {  	[tilespmem:s15], [sflag:$0x1] =	stream.indirect.gather [hbm4b:s4+s14], $0x20, s23, s14, $0xb8;
	[tilespmem:$0x13360] =	vst v63  }
0x3b: {  	s30 =	simm.s32 $0x180  }
0x3c: {  	[tilespmem:s16], [sflag:$0x2] =	stream.indirect.gather [hbm4b:s4+s14], $0x20, s30, s14, $0xb8;
	[tilespmem:$0x13360] =	vst v63  }
0x3d: {  	_ =	swait.ge [sflag:s17], $0x1000  }
0x3e: {  	[sflag:s17] =	ssyncset.done $0x0  }
0x3f: {  	s31 =	simm.s32 $0x5000;
	[sflag:s17] =	ssyncadd.s32 $0xFFFFF000  }
0x40: {  	[spmem:s2] =	stream.indirect.scatter.add.f32 [tilespmem:s15], [sflag:$0x3], $0x20, s31, s14, $0xb8;
	[tilespmem:$0x13360] =	vst v63  }
0x41: {  	_ =	swait.ge [sflag:s18], $0x1000  }
0x42: {  	[sflag:s18] =	ssyncset.done $0x0  }
0x43: {  	s24 =	simm.s32 $0x5080;
	s23 =	simm.s32 $0xFFFECC00;
	[sflag:s18] =	ssyncadd.s32 $0xFFFFF000  }
.LBB2_4:
0x44: {  	[spmem:s2] =	stream.indirect.scatter.add.f32 [tilespmem:s16], [sflag:$0x4], $0x20, s24, s14, $0xb8;
	[tilespmem:$0x13360] =	vst v63  }
0x45: {  	s24 =	smov.u32 s23  }
0x46: {  	p0 =	sne.s32 s23, $0xFFFFFC00;
	s23 =	sadd.s32 $0x400, s23;
	_ =	swait.ge [sflag:s20], $0x1000  }
0x47: {  	[sflag:s20] =	ssyncset.done $0x0  }
0x48: {  	[sflag:s20] =	ssyncadd.s32 $0xFFFFF000  }
0x49: {  	_ =	swait.ge [sflag:s21], $0x1000  }
0x4a: {  	s24 =	sshra.s32 s24, $0x2;
	[sflag:s21] =	ssyncset.done $0x0  }
0x4b: {  	s25 =	sadd.s32 $0x4F00, s24;
	[sflag:s21] =	ssyncadd.s32 $0xFFFFF000  }
0x4c: {  	[tilespmem:s15], [sflag:$0x1] =	stream.indirect.gather [hbm4b:s4+s14], $0x20, s25, s14, $0xb8;
	[tilespmem:$0x13360] =	vst v63  }
0x4d: {  	s25 =	sadd.s32 $0x4F80, s24  }
0x4e: {  	[tilespmem:s16], [sflag:$0x2] =	stream.indirect.gather [hbm4b:s4+s14], $0x20, s25, s14, $0xb8;
	[tilespmem:$0x13360] =	vst v63  }
0x4f: {  	_ =	swait.ge [sflag:s17], $0x1000  }
0x50: {  	[sflag:s17] =	ssyncset.done $0x0  }
.Ltmp1:
0x51: {  	s25 =	sadd.s32 $0x9E00, s24;
	[sflag:s17] =	ssyncadd.s32 $0xFFFFF000;
	(pc) =	sbr.rel @p0 .LBB2_4-.Ltmp1, $4  }
0x52: {  	[spmem:s2] =	stream.indirect.scatter.add.f32 [tilespmem:s15], [sflag:$0x3], $0x20, s25, s14, $0xb8;
	[tilespmem:$0x13360] =	vst v63  }
0x53: {  	_ =	swait.ge [sflag:s18], $0x1000  }
0x54: {  	[sflag:s18] =	ssyncset.done $0x0  }
0x55: {  	s24 =	sadd.s32 $0x9E80, s24;
	[sflag:s18] =	ssyncadd.s32 $0xFFFFF000  }
0x56: {  	[spmem:s2] =	stream.indirect.scatter.add.f32 [tilespmem:s16], [sflag:$0x4], $0x20, s24, s14, $0xb8;
	[tilespmem:$0x13360] =	vst v63  }
0x57: {  	_ =	swait.ge [sflag:s20], $0x1000  }
0x58: {  	[sflag:s20] =	ssyncset.done $0x0  }
0x59: {  	[sflag:s20] =	ssyncadd.s32 $0xFFFFF000  }
0x5a: {  	_ =	swait.ge [sflag:s21], $0x1000  }
0x5b: {  	s23 =	sshll.u32 s0, $0x6;
	s22 =	sadd.s32 $0x1, s22;
	[sflag:s21] =	ssyncset.done $0x0  }
0x5c: {  	s31 =	sshrl.u32 s7, $0x3;
	p0 =	sne.s32 s22, s10;
	[sflag:s21] =	ssyncadd.s32 $0xFFFFF000  }
.Ltmp2:
0x5d: {  	s23 =	sor.u32 $0x1C05, s23;
	[bflag:$0x0] =	sbarrier.arrive $0xFFFF;
	(pc) =	sbr.rel @p0 .LBB2_1-.Ltmp2, $4  }
0x5e: {  	[hbm:s9], [sflag:s23] =	dma.local [spmem:s31], $0x9C8  }
0x5f: {  	_ =	swait.ge [sflag:s11], $0x9C8  }
0x60: {  	[sflag:s11] =	ssyncset.done $0x0  }
0x61: {  	[sflag:s11] =	ssyncadd.s32 $0xFFFFF638  }
0x62: {  	_ =	sfence.sel $0x180000  }
0x63: {  	[bflag:$0x0] =	sbarrier.arrive $0xFFFF  }
0x64: {  	p0 =	sne.s32 s0, $0x0;
	_ =	strace $0x9000004A  }
0x65: {  	s0 =	sadd.s32 @!p0 $0x100000, s1;
	[bflag:$0x2] =	sbarrier.arrive $0xFFFF  }
0x66: {  	[sflag:s0] =	ssyncadd.tile.s32 @!p0 $0x1;
	_ =	shalt  }
.Lfunc_end2:
_tile_overlayer_lowered:
.L_overlay_start_2:
0x67: {  	(tag) =	ssettag $0x2  }
0x68: {  	s0 =	rddreg [dreg:$0x0];
	s2 =	stileid.u32  }
0x69: {  	s1 =	rddreg [dreg:$0x1];
	p0 =	sne.s32 s2, $0x0  }
0x6a: {  	s3 =	rddreg [dreg:$0x2];
	[bflag:$0x3] =	sbarrier.arrive $0xFFFF;
	s2 =	simm.s32 @!p0 $0x1C05  }
0x6b: {  	[timem:s3], [sflag:s2] =	dma.local @!p0 [hbm:s0], s1  }
0x6c: {  	s0 =	simm.s32 @!p0 $0x5  }
0x6d: {  	_ =	swait.ge @!p0 [sflag:s0], s1  }
0x6e: {  	s1 =	ssub.s32 @!p0 $0x0, s1;
	[sflag:s0] =	ssyncset.done @!p0 $0x0  }
0x6f: {  	[sflag:s0] =	ssyncadd.s32 @!p0 s1  }
0x70: {  	[bflag:$0x3] =	sbarrier.arrive $0xFFFF  }
0x71: {  	_ =	shalt  }

</sc_bundles>
